<compile_context>
chip_gen: v7x
topology: tpu7x:2x2x1
jax: 0.10.2.dev20260603
libtpu: 0.0.44.dev20260713+nightly
codegen_flags: <defaults>
</compile_context>

<pallas_src>
import functools
import math

import jax
import jax.numpy as jnp
import numpy as np
from jax import lax
from jax.experimental import pallas as pl
from jax.experimental.pallas import tpu as pltpu
from jax.experimental.pallas import tpu_sc as plsc

B = 2
H = 16
S = 4096
D = 64
HID = 1024
MAXLEN = 4096
S_BLK = 256
NS = S // S_BLK
N = B * H * S
NW = 32
PER_W = N // NW
CH = 64
NB = 8


def _consts():
    half = np.exp(np.arange(0, D, 2).astype(np.float64) * (-math.log(10000.0) / D))
    w64 = np.repeat(half, 2)
    cwr = np.repeat(np.cos(half), 2)
    swr = np.repeat(np.sin(half), 2)
    sign = np.tile(np.array([1.0, -1.0]), D // 2)
    swr_signed = swr * sign
    return np.stack([cwr, swr_signed]).astype(np.float32)


_CONSTS = _consts()



def _pos_body(hid_ref, gw_ref, pos_ref, idx_ref, wc_ref, carry_ref):
    s_idx = pl.program_id(1)

    @pl.when(s_idx == 0)
    def _():
        carry_ref[...] = jnp.zeros_like(carry_ref)

    hid = hid_ref[0]
    gw = gw_ref[...]
    hh = hid.astype(jnp.bfloat16)
    hl = (hid - hh.astype(jnp.float32)).astype(jnp.bfloat16)
    wh = gw.astype(jnp.bfloat16)
    wl = (gw - wh.astype(jnp.float32)).astype(jnp.bfloat16)
    dn = (((1,), (1,)), ((), ()))

    def _mm(a, b):
        return lax.dot_general(a, b, dn, preferred_element_type=jnp.float32,
                               precision=lax.Precision.DEFAULT)

    logits = _mm(hh, wh) + (_mm(hh, wl) + _mm(hl, wh))
    gates = jax.nn.sigmoid(logits)

    row = lax.broadcasted_iota(jnp.int32, (S_BLK, S_BLK), 0)
    col = lax.broadcasted_iota(jnp.int32, (S_BLK, S_BLK), 1)
    tri = (row >= col).astype(jnp.bfloat16)
    gh = gates.astype(jnp.bfloat16)
    gm = (gates - gh.astype(jnp.float32)).astype(jnp.bfloat16)
    dn2 = (((1,), (0,)), ((), ()))

    def _mm2(a, b):
        return lax.dot_general(a, b, dn2, preferred_element_type=jnp.float32,
                               precision=lax.Precision.DEFAULT)

    pos = _mm2(tri, gh) + _mm2(tri, gm)
    pos = pos + carry_ref[0:1, 0:H]
    carry_ref[0:1, 0:H] = pos[S_BLK - 1:S_BLK, :]
    pos_ref[0] = pos

    post = pos.T
    pc = jnp.clip(post, 0.0, float(MAXLEN) - 1.001)
    p0 = jnp.floor(pc)
    idx_ref[0] = p0.astype(jnp.int32)
    wc_ref[0] = pc - p0


def _positions(hidden_states, gate_w):
    return pl.pallas_call(
        _pos_body,
        grid=(B, NS),
        in_specs=[
            pl.BlockSpec((1, S_BLK, HID), lambda b, s: (b, s, 0)),
            pl.BlockSpec((H, HID), lambda b, s: (0, 0)),
        ],
        out_specs=[
            pl.BlockSpec((1, S_BLK, H), lambda b, s: (b, s, 0)),
            pl.BlockSpec((1, H, S_BLK), lambda b, s: (b, 0, s)),
            pl.BlockSpec((1, H, S_BLK), lambda b, s: (b, 0, s)),
        ],
        out_shape=[
            jax.ShapeDtypeStruct((B, S, H), jnp.float32),
            jax.ShapeDtypeStruct((B, H, S), jnp.int32),
            jax.ShapeDtypeStruct((B, H, S), jnp.float32),
        ],
        scratch_shapes=[pltpu.VMEM((8, 128), jnp.float32)],
        compiler_params=pltpu.CompilerParams(
            dimension_semantics=("arbitrary", "arbitrary"),
        ),
    )(hidden_states, gate_w)



def _sc_gather(table2, idx_flat):
    mesh = plsc.VectorSubcoreMesh(core_axis_name="c", subcore_axis_name="s")

    @functools.partial(
        pl.kernel,
        mesh=mesh,
        out_type=jax.ShapeDtypeStruct((N, 2 * D), jnp.float32),
        scratch_types=[
            pltpu.VMEM((PER_W,), jnp.int32),
            pltpu.VMEM((NB, CH, 2 * D), jnp.float32),
            pltpu.SemaphoreType.DMA,
            pltpu.SemaphoreType.DMA,
        ],
    )
    def k(table_hbm, idx_hbm, out_hbm, idx_v, rows_v, gsem, ssem):
        wid = lax.axis_index("s") * 2 + lax.axis_index("c")
        base = wid * PER_W
        pltpu.sync_copy(idx_hbm.at[pl.ds(base, PER_W)], idx_v)

        def body(j, _):
            gcps = []
            for b in range(NB):
                off = (j * NB + b) * CH
                gcps.append(pltpu.async_copy(
                    table_hbm.at[idx_v.at[pl.ds(off, CH)]],
                    rows_v.at[b], gsem))
            for cp in gcps:
                cp.wait()
            scps = []
            for b in range(NB):
                off = (j * NB + b) * CH
                scps.append(pltpu.async_copy(
                    rows_v.at[b], out_hbm.at[pl.ds(base + off, CH)], ssem))
            for cp in scps:
                cp.wait()
            return 0

        lax.fori_loop(0, PER_W // CH // NB, body, 0)

    return k(table2, idx_flat)



def _add_body(q_ref, k_ref, e01_ref, wc_ref, qo_ref, ko_ref):
    ef = e01_ref[0][:, :, 0:D]
    ec = e01_ref[0][:, :, D:2 * D]
    wc3 = jnp.broadcast_to(wc_ref[0][:, :, None], (H, S_BLK, D))
    pe = ef + wc3 * (ec - ef)
    qo_ref[0] = q_ref[0] + pe
    ko_ref[0] = k_ref[0] + pe


def _interp_add(q, k, e01, wc):
    qk_spec = pl.BlockSpec((1, H, S_BLK, D), lambda b, s: (b, 0, s, 0))
    return pl.pallas_call(
        _add_body,
        grid=(B, NS),
        in_specs=[
            qk_spec,
            qk_spec,
            pl.BlockSpec((1, H, S_BLK, 2 * D), lambda b, s: (b, 0, s, 0)),
            pl.BlockSpec((1, H, S_BLK), lambda b, s: (b, 0, s)),
        ],
        out_specs=[qk_spec, qk_spec],
        out_shape=[
            jax.ShapeDtypeStruct((B, H, S, D), jnp.float32),
            jax.ShapeDtypeStruct((B, H, S, D), jnp.float32),
        ],
        compiler_params=pltpu.CompilerParams(
            dimension_semantics=("parallel", "arbitrary"),
        ),
    )(q, k, e01, wc)


def kernel(q, k, hidden_states, gate_w, pos_table):
    positions, idx, wc = _positions(hidden_states, gate_w)
    table2 = jnp.concatenate(
        [pos_table, jnp.roll(pos_table, -1, axis=0)], axis=1)
    e01 = _sc_gather(table2, idx.reshape(N))
    e01 = e01.reshape(B, H, S, 2 * D)
    q_pos, k_pos = _interp_add(q, k, e01, wc)
    return (q_pos, k_pos, positions)

# --- scband reference (transcript-rebuilt; emitter-appended) ---
"""Pipeline reference for scband-contextual-position-encoding-54271206752424 (READ-ONLY COPY).

The authoritative reference and input builder live on the scoring server;
editing this copy changes nothing except your own understanding.
"""

import jax, jax.numpy as jnp
import numpy as np
import math

MAX_SEQ_LEN = 4096
HEAD_DIM = 64
HIDDEN_DIM = 1024
NUM_HEADS = 16
BATCH = 2
SEQ_LEN = 4096

def _sinusoidal_table():
    position = np.arange(MAX_SEQ_LEN)[:, None].astype(np.float64)
    div_term = np.exp(np.arange(0, HEAD_DIM, 2).astype(np.float64) * (-math.log(10000.0) / HEAD_DIM))
    pe = np.zeros((MAX_SEQ_LEN, HEAD_DIM), dtype=np.float32)
    pe[:, 0::2] = np.sin(position * div_term)
    pe[:, 1::2] = np.cos(position * div_term)
    return jnp.asarray(pe)

def setup_inputs(seed: int = 0) -> dict:
    key = jax.random.key(seed)
    k1, k2, k3, k4 = jax.random.split(key, 4)
    q = jax.random.normal(k1, (BATCH, NUM_HEADS, SEQ_LEN, HEAD_DIM), dtype=jnp.float32)
    k = jax.random.normal(k2, (BATCH, NUM_HEADS, SEQ_LEN, HEAD_DIM), dtype=jnp.float32)
    hidden_states = jax.random.normal(k3, (BATCH, SEQ_LEN, HIDDEN_DIM), dtype=jnp.float32)
    # torch inits gate_proj weight to zeros; use small random values for a nontrivial reference
    gate_w = jax.random.normal(k4, (NUM_HEADS, HIDDEN_DIM), dtype=jnp.float32) * 0.02
    pos_table = _sinusoidal_table()
    return {"q": q, "k": k, "hidden_states": hidden_states, "gate_w": gate_w, "pos_table": pos_table}

def reference(q, k, hidden_states, gate_w, pos_table):
    # compute_gates: Linear(hidden_dim -> num_heads, no bias) then sigmoid
    gate_logits = hidden_states @ gate_w.T  # [B, S, H]
    gates = jax.nn.sigmoid(gate_logits)
    # compute_positions: cumulative sum of gates along sequence
    positions = jnp.cumsum(gates, axis=1)  # [B, S, H]
    # get_position_embeddings: clamp, floor/ceil gather from pos table, linear interp
    pc = jnp.clip(positions, 0.0, MAX_SEQ_LEN - 1.001)
    pos_floor = jnp.floor(pc).astype(jnp.int32)
    pos_ceil = jnp.clip(pos_floor + 1, None, MAX_SEQ_LEN - 1)
    weight_ceil = pc - pos_floor.astype(pc.dtype)
    weight_floor = 1.0 - weight_ceil
    embed_floor = jnp.take(pos_table, pos_floor, axis=0)  # [B, S, H, D]
    embed_ceil = jnp.take(pos_table, pos_ceil, axis=0)    # [B, S, H, D]
    pos_embeds = weight_floor[..., None] * embed_floor + weight_ceil[..., None] * embed_ceil
    pos_embeds = jnp.transpose(pos_embeds, (0, 2, 1, 3))  # [B, H, S, D]
    q_pos = q + pos_embeds
    k_pos = k + pos_embeds
    return (q_pos, k_pos, positions)

if __name__ == "__main__":
    import jax
    _d = setup_inputs()
    print(jax.jit(kernel)(*tuple(_d.values())))

</pallas_src>

<mosaic_0001>
#map = affine_map<(d0, d1) -> (0, 0)>
#map1 = affine_map<(d0, d1) -> (0)>
module attributes {stable_mosaic.version = 14 : i64} {
  func.func @k(%arg0: i32, %arg1: i32, %arg2: memref<4096x128xf32, #tpu.memory_space<hbm>>, %arg3: memref<131072xi32, #tpu.memory_space<hbm>>, %arg4: memref<131072x128xf32, #tpu.memory_space<hbm>>, %arg5: memref<4096xi32, #tpu.memory_space<vmem>>, %arg6: memref<8x64x128xf32, #tpu.memory_space<vmem>>, %arg7: memref<!tpu.dma_semaphore, #tpu.memory_space<semaphore_mem>>, %arg8: memref<!tpu.dma_semaphore, #tpu.memory_space<semaphore_mem>>) attributes {dimension_semantics = [#tpu.dimension_semantics<core_parallel>, #tpu.dimension_semantics<subcore_parallel>], iteration_bounds = array<i64: 2, 16>, scalar_prefetch = 0 : i64, scratch_operands = 4 : i64, tpu.core_type = #tpu.core_type<sc_vector_subcore>, window_params = [{transform_indices = #map}, {transform_indices = #map1}, {transform_indices = #map}]} {
    %mul3A = arith.constant 2 : i32
    %mul3A_0 = arith.muli %arg1, %mul3A : i32
    %add3A = arith.addi %mul3A_0, %arg0 : i32
    %mul3A_1 = arith.constant 4096 : i32
    %mul3A_2 = arith.muli %add3A, %mul3A_1 : i32
    "tpu.region"() ({
      %run_scoped3A = tpu.sem_alloc : memref<!tpu.dma_semaphore, #tpu.memory_space<semaphore_mem>>
      %dma_start3A = tpu.memref_slice %arg3[%mul3A_2] : memref<131072xi32, #tpu.memory_space<hbm>> -> memref<4096xi32, #tpu.memory_space<hbm>>
      %dma_start3A_9 = tpu.memref_slice %arg3[%mul3A_2] : memref<131072xi32, #tpu.memory_space<hbm>> -> memref<4096xi32, #tpu.memory_space<hbm>>
      tpu.enqueue_dma source(%dma_start3A_9 : memref<4096xi32, #tpu.memory_space<hbm>>) target(%arg5 : memref<4096xi32, #tpu.memory_space<vmem>>) target_semaphore(%run_scoped3A : memref<!tpu.dma_semaphore, #tpu.memory_space<semaphore_mem>>)
      %dma_wait3A = tpu.memref_slice %arg3[%mul3A_2] : memref<131072xi32, #tpu.memory_space<hbm>> -> memref<4096xi32, #tpu.memory_space<hbm>>
      %dma_wait3A_10 = tpu.memref_slice %arg3[%mul3A_2] : memref<131072xi32, #tpu.memory_space<hbm>> -> memref<4096xi32, #tpu.memory_space<hbm>>
      tpu.wait_dma2 semaphore(%run_scoped3A : memref<!tpu.dma_semaphore, #tpu.memory_space<semaphore_mem>>) src(%dma_wait3A_10 : memref<4096xi32, #tpu.memory_space<hbm>>) dst(%arg5 : memref<4096xi32, #tpu.memory_space<vmem>>)
      tpu.yield
    }) : () -> ()
    %scan3A = arith.constant 0 : i32
    %scan3A_3 = arith.constant 0 : i32
    %scan3A_4 = arith.constant 8 : i32
    %scan3A_5 = arith.addi %scan3A_3, %scan3A_4 : i32
    %scan3A_6 = arith.constant 1 : i32
    %scan3A_7 = scf.for %scan3A_9 = %scan3A_3 to %scan3A_5 step %scan3A_6 iter_args(%scan3A_10 = %scan3A) -> (i32)  : i32 {
      %mul3A_11 = arith.constant 8 : i32
      %mul3A_12 = arith.muli %scan3A_9, %mul3A_11 : i32
      %add3A_13 = arith.constant 0 : i32
      %add3A_14 = arith.addi %mul3A_12, %add3A_13 : i32
      %mul3A_15 = arith.constant 64 : i32
      %mul3A_16 = arith.muli %add3A_14, %mul3A_15 : i32
      %dma_start3A = arith.constant 0 : i32
      %dma_start3A_17 = arith.constant 0 : i32
      %dma_start3A_18 = arith.constant 0 : i32
      %dma_start3A_19 = tpu.memref_slice %arg6[%dma_start3A, %dma_start3A_17, %dma_start3A_18] : memref<8x64x128xf32, #tpu.memory_space<vmem>> -> memref<1x64x128xf32, #tpu.memory_space<vmem>>
      %dma_start3A_20 = tpu.memref_squeeze %dma_start3A_19 : memref<1x64x128xf32, #tpu.memory_space<vmem>> -> memref<64x128xf32, #tpu.memory_space<vmem>>
      %dma_start3A_21 = tpu.memref_slice %arg5[%mul3A_16] : memref<4096xi32, #tpu.memory_space<vmem>> -> memref<64xi32, #tpu.memory_space<vmem>>
      %dma_start3A_22 = arith.constant 0 : i32
      %dma_start3A_23 = arith.constant 0 : i32
      %dma_start3A_24 = tpu.memref_slice %arg2[%dma_start3A_22, %dma_start3A_23] : memref<4096x128xf32, #tpu.memory_space<hbm>> -> memref<4096x128xf32, #tpu.memory_space<hbm>>
      tpu.enqueue_indirect_dma source(%dma_start3A_24 : memref<4096x128xf32, #tpu.memory_space<hbm>>) target(%dma_start3A_20 : memref<64x128xf32, #tpu.memory_space<vmem>>) offsets(%dma_start3A_21 : memref<64xi32, #tpu.memory_space<vmem>>) semaphore(%arg7 : memref<!tpu.dma_semaphore, #tpu.memory_space<semaphore_mem>>)
      %mul3A_25 = arith.constant 8 : i32
      %mul3A_26 = arith.muli %scan3A_9, %mul3A_25 : i32
      %add3A_27 = arith.constant 1 : i32
      %add3A_28 = arith.addi %mul3A_26, %add3A_27 : i32
      %mul3A_29 = arith.constant 64 : i32
      %mul3A_30 = arith.muli %add3A_28, %mul3A_29 : i32
      %dma_start3A_31 = arith.constant 1 : i32
      %dma_start3A_32 = arith.constant 0 : i32
      %dma_start3A_33 = arith.constant 0 : i32
      %dma_start3A_34 = tpu.memref_slice %arg6[%dma_start3A_31, %dma_start3A_32, %dma_start3A_33] : memref<8x64x128xf32, #tpu.memory_space<vmem>> -> memref<1x64x128xf32, #tpu.memory_space<vmem>>
      %dma_start3A_35 = tpu.memref_squeeze %dma_start3A_34 : memref<1x64x128xf32, #tpu.memory_space<vmem>> -> memref<64x128xf32, #tpu.memory_space<vmem>>
      %dma_start3A_36 = tpu.memref_slice %arg5[%mul3A_30] : memref<4096xi32, #tpu.memory_space<vmem>> -> memref<64xi32, #tpu.memory_space<vmem>>
      %dma_start3A_37 = arith.constant 0 : i32
      %dma_start3A_38 = arith.constant 0 : i32
      %dma_start3A_39 = tpu.memref_slice %arg2[%dma_start3A_37, %dma_start3A_38] : memref<4096x128xf32, #tpu.memory_space<hbm>> -> memref<4096x128xf32, #tpu.memory_space<hbm>>
      tpu.enqueue_indirect_dma source(%dma_start3A_39 : memref<4096x128xf32, #tpu.memory_space<hbm>>) target(%dma_start3A_35 : memref<64x128xf32, #tpu.memory_space<vmem>>) offsets(%dma_start3A_36 : memref<64xi32, #tpu.memory_space<vmem>>) semaphore(%arg7 : memref<!tpu.dma_semaphore, #tpu.memory_space<semaphore_mem>>)
      %mul3A_40 = arith.constant 8 : i32
      %mul3A_41 = arith.muli %scan3A_9, %mul3A_40 : i32
      %add3A_42 = arith.constant 2 : i32
      %add3A_43 = arith.addi %mul3A_41, %add3A_42 : i32
      %mul3A_44 = arith.constant 64 : i32
      %mul3A_45 = arith.muli %add3A_43, %mul3A_44 : i32
      %dma_start3A_46 = arith.constant 2 : i32
      %dma_start3A_47 = arith.constant 0 : i32
      %dma_start3A_48 = arith.constant 0 : i32
      %dma_start3A_49 = tpu.memref_slice %arg6[%dma_start3A_46, %dma_start3A_47, %dma_start3A_48] : memref<8x64x128xf32, #tpu.memory_space<vmem>> -> memref<1x64x128xf32, #tpu.memory_space<vmem>>
      %dma_start3A_50 = tpu.memref_squeeze %dma_start3A_49 : memref<1x64x128xf32, #tpu.memory_space<vmem>> -> memref<64x128xf32, #tpu.memory_space<vmem>>
      %dma_start3A_51 = tpu.memref_slice %arg5[%mul3A_45] : memref<4096xi32, #tpu.memory_space<vmem>> -> memref<64xi32, #tpu.memory_space<vmem>>
      %dma_start3A_52 = arith.constant 0 : i32
      %dma_start3A_53 = arith.constant 0 : i32
      %dma_start3A_54 = tpu.memref_slice %arg2[%dma_start3A_52, %dma_start3A_53] : memref<4096x128xf32, #tpu.memory_space<hbm>> -> memref<4096x128xf32, #tpu.memory_space<hbm>>
      tpu.enqueue_indirect_dma source(%dma_start3A_54 : memref<4096x128xf32, #tpu.memory_space<hbm>>) target(%dma_start3A_50 : memref<64x128xf32, #tpu.memory_space<vmem>>) offsets(%dma_start3A_51 : memref<64xi32, #tpu.memory_space<vmem>>) semaphore(%arg7 : memref<!tpu.dma_semaphore, #tpu.memory_space<semaphore_mem>>)
      %mul3A_55 = arith.constant 8 : i32
      %mul3A_56 = arith.muli %scan3A_9, %mul3A_55 : i32
      %add3A_57 = arith.constant 3 : i32
      %add3A_58 = arith.addi %mul3A_56, %add3A_57 : i32
      %mul3A_59 = arith.constant 64 : i32
      %mul3A_60 = arith.muli %add3A_58, %mul3A_59 : i32
      %dma_start3A_61 = arith.constant 3 : i32
      %dma_start3A_62 = arith.constant 0 : i32
      %dma_start3A_63 = arith.constant 0 : i32
      %dma_start3A_64 = tpu.memref_slice %arg6[%dma_start3A_61, %dma_start3A_62, %dma_start3A_63] : memref<8x64x128xf32, #tpu.memory_space<vmem>> -> memref<1x64x128xf32, #tpu.memory_space<vmem>>
      %dma_start3A_65 = tpu.memref_squeeze %dma_start3A_64 : memref<1x64x128xf32, #tpu.memory_space<vmem>> -> memref<64x128xf32, #tpu.memory_space<vmem>>
      %dma_start3A_66 = tpu.memref_slice %arg5[%mul3A_60] : memref<4096xi32, #tpu.memory_space<vmem>> -> memref<64xi32, #tpu.memory_space<vmem>>
      %dma_start3A_67 = arith.constant 0 : i32
      %dma_start3A_68 = arith.constant 0 : i32
      %dma_start3A_69 = tpu.memref_slice %arg2[%dma_start3A_67, %dma_start3A_68] : memref<4096x128xf32, #tpu.memory_space<hbm>> -> memref<4096x128xf32, #tpu.memory_space<hbm>>
      tpu.enqueue_indirect_dma source(%dma_start3A_69 : memref<4096x128xf32, #tpu.memory_space<hbm>>) target(%dma_start3A_65 : memref<64x128xf32, #tpu.memory_space<vmem>>) offsets(%dma_start3A_66 : memref<64xi32, #tpu.memory_space<vmem>>) semaphore(%arg7 : memref<!tpu.dma_semaphore, #tpu.memory_space<semaphore_mem>>)
      %mul3A_70 = arith.constant 8 : i32
      %mul3A_71 = arith.muli %scan3A_9, %mul3A_70 : i32
      %add3A_72 = arith.constant 4 : i32
      %add3A_73 = arith.addi %mul3A_71, %add3A_72 : i32
      %mul3A_74 = arith.constant 64 : i32
      %mul3A_75 = arith.muli %add3A_73, %mul3A_74 : i32
      %dma_start3A_76 = arith.constant 4 : i32
      %dma_start3A_77 = arith.constant 0 : i32
      %dma_start3A_78 = arith.constant 0 : i32
      %dma_start3A_79 = tpu.memref_slice %arg6[%dma_start3A_76, %dma_start3A_77, %dma_start3A_78] : memref<8x64x128xf32, #tpu.memory_space<vmem>> -> memref<1x64x128xf32, #tpu.memory_space<vmem>>
      %dma_start3A_80 = tpu.memref_squeeze %dma_start3A_79 : memref<1x64x128xf32, #tpu.memory_space<vmem>> -> memref<64x128xf32, #tpu.memory_space<vmem>>
      %dma_start3A_81 = tpu.memref_slice %arg5[%mul3A_75] : memref<4096xi32, #tpu.memory_space<vmem>> -> memref<64xi32, #tpu.memory_space<vmem>>
      %dma_start3A_82 = arith.constant 0 : i32
      %dma_start3A_83 = arith.constant 0 : i32
      %dma_start3A_84 = tpu.memref_slice %arg2[%dma_start3A_82, %dma_start3A_83] : memref<4096x128xf32, #tpu.memory_space<hbm>> -> memref<4096x128xf32, #tpu.memory_space<hbm>>
      tpu.enqueue_indirect_dma source(%dma_start3A_84 : memref<4096x128xf32, #tpu.memory_space<hbm>>) target(%dma_start3A_80 : memref<64x128xf32, #tpu.memory_space<vmem>>) offsets(%dma_start3A_81 : memref<64xi32, #tpu.memory_space<vmem>>) semaphore(%arg7 : memref<!tpu.dma_semaphore, #tpu.memory_space<semaphore_mem>>)
      %mul3A_85 = arith.constant 8 : i32
      %mul3A_86 = arith.muli %scan3A_9, %mul3A_85 : i32
      %add3A_87 = arith.constant 5 : i32
      %add3A_88 = arith.addi %mul3A_86, %add3A_87 : i32
      %mul3A_89 = arith.constant 64 : i32
      %mul3A_90 = arith.muli %add3A_88, %mul3A_89 : i32
      %dma_start3A_91 = arith.constant 5 : i32
      %dma_start3A_92 = arith.constant 0 : i32
      %dma_start3A_93 = arith.constant 0 : i32
      %dma_start3A_94 = tpu.memref_slice %arg6[%dma_start3A_91, %dma_start3A_92, %dma_start3A_93] : memref<8x64x128xf32, #tpu.memory_space<vmem>> -> memref<1x64x128xf32, #tpu.memory_space<vmem>>
      %dma_start3A_95 = tpu.memref_squeeze %dma_start3A_94 : memref<1x64x128xf32, #tpu.memory_space<vmem>> -> memref<64x128xf32, #tpu.memory_space<vmem>>
      %dma_start3A_96 = tpu.memref_slice %arg5[%mul3A_90] : memref<4096xi32, #tpu.memory_space<vmem>> -> memref<64xi32, #tpu.memory_space<vmem>>
      %dma_start3A_97 = arith.constant 0 : i32
      %dma_start3A_98 = arith.constant 0 : i32
      %dma_start3A_99 = tpu.memref_slice %arg2[%dma_start3A_97, %dma_start3A_98] : memref<4096x128xf32, #tpu.memory_space<hbm>> -> memref<4096x128xf32, #tpu.memory_space<hbm>>
      tpu.enqueue_indirect_dma source(%dma_start3A_99 : memref<4096x128xf32, #tpu.memory_space<hbm>>) target(%dma_start3A_95 : memref<64x128xf32, #tpu.memory_space<vmem>>) offsets(%dma_start3A_96 : memref<64xi32, #tpu.memory_space<vmem>>) semaphore(%arg7 : memref<!tpu.dma_semaphore, #tpu.memory_space<semaphore_mem>>)
      %mul3A_100 = arith.constant 8 : i32
      %mul3A_101 = arith.muli %scan3A_9, %mul3A_100 : i32
      %add3A_102 = arith.constant 6 : i32
      %add3A_103 = arith.addi %mul3A_101, %add3A_102 : i32
      %mul3A_104 = arith.constant 64 : i32
      %mul3A_105 = arith.muli %add3A_103, %mul3A_104 : i32
      %dma_start3A_106 = arith.constant 6 : i32
      %dma_start3A_107 = arith.constant 0 : i32
      %dma_start3A_108 = arith.constant 0 : i32
      %dma_start3A_109 = tpu.memref_slice %arg6[%dma_start3A_106, %dma_start3A_107, %dma_start3A_108] : memref<8x64x128xf32, #tpu.memory_space<vmem>> -> memref<1x64x128xf32, #tpu.memory_space<vmem>>
      %dma_start3A_110 = tpu.memref_squeeze %dma_start3A_109 : memref<1x64x128xf32, #tpu.memory_space<vmem>> -> memref<64x128xf32, #tpu.memory_space<vmem>>
      %dma_start3A_111 = tpu.memref_slice %arg5[%mul3A_105] : memref<4096xi32, #tpu.memory_space<vmem>> -> memref<64xi32, #tpu.memory_space<vmem>>
      %dma_start3A_112 = arith.constant 0 : i32
      %dma_start3A_113 = arith.constant 0 : i32
      %dma_start3A_114 = tpu.memref_slice %arg2[%dma_start3A_112, %dma_start3A_113] : memref<4096x128xf32, #tpu.memory_space<hbm>> -> memref<4096x128xf32, #tpu.memory_space<hbm>>
      tpu.enqueue_indirect_dma source(%dma_start3A_114 : memref<4096x128xf32, #tpu.memory_space<hbm>>) target(%dma_start3A_110 : memref<64x128xf32, #tpu.memory_space<vmem>>) offsets(%dma_start3A_111 : memref<64xi32, #tpu.memory_space<vmem>>) semaphore(%arg7 : memref<!tpu.dma_semaphore, #tpu.memory_space<semaphore_mem>>)
      %mul3A_115 = arith.constant 8 : i32
      %mul3A_116 = arith.muli %scan3A_9, %mul3A_115 : i32
      %add3A_117 = arith.constant 7 : i32
      %add3A_118 = arith.addi %mul3A_116, %add3A_117 : i32
      %mul3A_119 = arith.constant 64 : i32
      %mul3A_120 = arith.muli %add3A_118, %mul3A_119 : i32
      %dma_start3A_121 = arith.constant 7 : i32
      %dma_start3A_122 = arith.constant 0 : i32
      %dma_start3A_123 = arith.constant 0 : i32
      %dma_start3A_124 = tpu.memref_slice %arg6[%dma_start3A_121, %dma_start3A_122, %dma_start3A_123] : memref<8x64x128xf32, #tpu.memory_space<vmem>> -> memref<1x64x128xf32, #tpu.memory_space<vmem>>
      %dma_start3A_125 = tpu.memref_squeeze %dma_start3A_124 : memref<1x64x128xf32, #tpu.memory_space<vmem>> -> memref<64x128xf32, #tpu.memory_space<vmem>>
      %dma_start3A_126 = tpu.memref_slice %arg5[%mul3A_120] : memref<4096xi32, #tpu.memory_space<vmem>> -> memref<64xi32, #tpu.memory_space<vmem>>
      %dma_start3A_127 = arith.constant 0 : i32
      %dma_start3A_128 = arith.constant 0 : i32
      %dma_start3A_129 = tpu.memref_slice %arg2[%dma_start3A_127, %dma_start3A_128] : memref<4096x128xf32, #tpu.memory_space<hbm>> -> memref<4096x128xf32, #tpu.memory_space<hbm>>
      tpu.enqueue_indirect_dma source(%dma_start3A_129 : memref<4096x128xf32, #tpu.memory_space<hbm>>) target(%dma_start3A_125 : memref<64x128xf32, #tpu.memory_space<vmem>>) offsets(%dma_start3A_126 : memref<64xi32, #tpu.memory_space<vmem>>) semaphore(%arg7 : memref<!tpu.dma_semaphore, #tpu.memory_space<semaphore_mem>>)
      %dma_wait3A = arith.constant 0 : i32
      %dma_wait3A_130 = arith.constant 0 : i32
      %dma_wait3A_131 = arith.constant 0 : i32
      %dma_wait3A_132 = tpu.memref_slice %arg6[%dma_wait3A, %dma_wait3A_130, %dma_wait3A_131] : memref<8x64x128xf32, #tpu.memory_space<vmem>> -> memref<1x64x128xf32, #tpu.memory_space<vmem>>
      %dma_wait3A_133 = tpu.memref_squeeze %dma_wait3A_132 : memref<1x64x128xf32, #tpu.memory_space<vmem>> -> memref<64x128xf32, #tpu.memory_space<vmem>>
      %dma_wait3A_134 = tpu.memref_slice %arg5[%mul3A_16] : memref<4096xi32, #tpu.memory_space<vmem>> -> memref<64xi32, #tpu.memory_space<vmem>>
      %dma_wait3A_135 = arith.constant 0 : i32
      %dma_wait3A_136 = arith.constant 0 : i32
      %dma_wait3A_137 = tpu.memref_slice %arg2[%dma_wait3A_135, %dma_wait3A_136] : memref<4096x128xf32, #tpu.memory_space<hbm>> -> memref<4096x128xf32, #tpu.memory_space<hbm>>
      tpu.wait_indirect_dma semaphore(%arg7 : memref<!tpu.dma_semaphore, #tpu.memory_space<semaphore_mem>>) src(%dma_wait3A_137 : memref<4096x128xf32, #tpu.memory_space<hbm>>) dst(%dma_wait3A_133 : memref<64x128xf32, #tpu.memory_space<vmem>>)
      %dma_wait3A_138 = arith.constant 1 : i32
      %dma_wait3A_139 = arith.constant 0 : i32
      %dma_wait3A_140 = arith.constant 0 : i32
      %dma_wait3A_141 = tpu.memref_slice %arg6[%dma_wait3A_138, %dma_wait3A_139, %dma_wait3A_140] : memref<8x64x128xf32, #tpu.memory_space<vmem>> -> memref<1x64x128xf32, #tpu.memory_space<vmem>>
      %dma_wait3A_142 = tpu.memref_squeeze %dma_wait3A_141 : memref<1x64x128xf32, #tpu.memory_space<vmem>> -> memref<64x128xf32, #tpu.memory_space<vmem>>
      %dma_wait3A_143 = tpu.memref_slice %arg5[%mul3A_30] : memref<4096xi32, #tpu.memory_space<vmem>> -> memref<64xi32, #tpu.memory_space<vmem>>
      %dma_wait3A_144 = arith.constant 0 : i32
      %dma_wait3A_145 = arith.constant 0 : i32
      %dma_wait3A_146 = tpu.memref_slice %arg2[%dma_wait3A_144, %dma_wait3A_145] : memref<4096x128xf32, #tpu.memory_space<hbm>> -> memref<4096x128xf32, #tpu.memory_space<hbm>>
      tpu.wait_indirect_dma semaphore(%arg7 : memref<!tpu.dma_semaphore, #tpu.memory_space<semaphore_mem>>) src(%dma_wait3A_146 : memref<4096x128xf32, #tpu.memory_space<hbm>>) dst(%dma_wait3A_142 : memref<64x128xf32, #tpu.memory_space<vmem>>)
      %dma_wait3A_147 = arith.constant 2 : i32
      %dma_wait3A_148 = arith.constant 0 : i32
      %dma_wait3A_149 = arith.constant 0 : i32
      %dma_wait3A_150 = tpu.memref_slice %arg6[%dma_wait3A_147, %dma_wait3A_148, %dma_wait3A_149] : memref<8x64x128xf32, #tpu.memory_space<vmem>> -> memref<1x64x128xf32, #tpu.memory_space<vmem>>
      %dma_wait3A_151 = tpu.memref_squeeze %dma_wait3A_150 : memref<1x64x128xf32, #tpu.memory_space<vmem>> -> memref<64x128xf32, #tpu.memory_space<vmem>>
      %dma_wait3A_152 = tpu.memref_slice %arg5[%mul3A_45] : memref<4096xi32, #tpu.memory_space<vmem>> -> memref<64xi32, #tpu.memory_space<vmem>>
      %dma_wait3A_153 = arith.constant 0 : i32
      %dma_wait3A_154 = arith.constant 0 : i32
      %dma_wait3A_155 = tpu.memref_slice %arg2[%dma_wait3A_153, %dma_wait3A_154] : memref<4096x128xf32, #tpu.memory_space<hbm>> -> memref<4096x128xf32, #tpu.memory_space<hbm>>
      tpu.wait_indirect_dma semaphore(%arg7 : memref<!tpu.dma_semaphore, #tpu.memory_space<semaphore_mem>>) src(%dma_wait3A_155 : memref<4096x128xf32, #tpu.memory_space<hbm>>) dst(%dma_wait3A_151 : memref<64x128xf32, #tpu.memory_space<vmem>>)
      %dma_wait3A_156 = arith.constant 3 : i32
      %dma_wait3A_157 = arith.constant 0 : i32
      %dma_wait3A_158 = arith.constant 0 : i32
      %dma_wait3A_159 = tpu.memref_slice %arg6[%dma_wait3A_156, %dma_wait3A_157, %dma_wait3A_158] : memref<8x64x128xf32, #tpu.memory_space<vmem>> -> memref<1x64x128xf32, #tpu.memory_space<vmem>>
      %dma_wait3A_160 = tpu.memref_squeeze %dma_wait3A_159 : memref<1x64x128xf32, #tpu.memory_space<vmem>> -> memref<64x128xf32, #tpu.memory_space<vmem>>
      %dma_wait3A_161 = tpu.memref_slice %arg5[%mul3A_60] : memref<4096xi32, #tpu.memory_space<vmem>> -> memref<64xi32, #tpu.memory_space<vmem>>
      %dma_wait3A_162 = arith.constant 0 : i32
      %dma_wait3A_163 = arith.constant 0 : i32
      %dma_wait3A_164 = tpu.memref_slice %arg2[%dma_wait3A_162, %dma_wait3A_163] : memref<4096x128xf32, #tpu.memory_space<hbm>> -> memref<4096x128xf32, #tpu.memory_space<hbm>>
      tpu.wait_indirect_dma semaphore(%arg7 : memref<!tpu.dma_semaphore, #tpu.memory_space<semaphore_mem>>) src(%dma_wait3A_164 : memref<4096x128xf32, #tpu.memory_space<hbm>>) dst(%dma_wait3A_160 : memref<64x128xf32, #tpu.memory_space<vmem>>)
      %dma_wait3A_165 = arith.constant 4 : i32
      %dma_wait3A_166 = arith.constant 0 : i32
      %dma_wait3A_167 = arith.constant 0 : i32
      %dma_wait3A_168 = tpu.memref_slice %arg6[%dma_wait3A_165, %dma_wait3A_166, %dma_wait3A_167] : memref<8x64x128xf32, #tpu.memory_space<vmem>> -> memref<1x64x128xf32, #tpu.memory_space<vmem>>
      %dma_wait3A_169 = tpu.memref_squeeze %dma_wait3A_168 : memref<1x64x128xf32, #tpu.memory_space<vmem>> -> memref<64x128xf32, #tpu.memory_space<vmem>>
      %dma_wait3A_170 = tpu.memref_slice %arg5[%mul3A_75] : memref<4096xi32, #tpu.memory_space<vmem>> -> memref<64xi32, #tpu.memory_space<vmem>>
      %dma_wait3A_171 = arith.constant 0 : i32
      %dma_wait3A_172 = arith.constant 0 : i32
      %dma_wait3A_173 = tpu.memref_slice %arg2[%dma_wait3A_171, %dma_wait3A_172] : memref<4096x128xf32, #tpu.memory_space<hbm>> -> memref<4096x128xf32, #tpu.memory_space<hbm>>
      tpu.wait_indirect_dma semaphore(%arg7 : memref<!tpu.dma_semaphore, #tpu.memory_space<semaphore_mem>>) src(%dma_wait3A_173 : memref<4096x128xf32, #tpu.memory_space<hbm>>) dst(%dma_wait3A_169 : memref<64x128xf32, #tpu.memory_space<vmem>>)
      %dma_wait3A_174 = arith.constant 5 : i32
      %dma_wait3A_175 = arith.constant 0 : i32
      %dma_wait3A_176 = arith.constant 0 : i32
      %dma_wait3A_177 = tpu.memref_slice %arg6[%dma_wait3A_174, %dma_wait3A_175, %dma_wait3A_176] : memref<8x64x128xf32, #tpu.memory_space<vmem>> -> memref<1x64x128xf32, #tpu.memory_space<vmem>>
      %dma_wait3A_178 = tpu.memref_squeeze %dma_wait3A_177 : memref<1x64x128xf32, #tpu.memory_space<vmem>> -> memref<64x128xf32, #tpu.memory_space<vmem>>
      %dma_wait3A_179 = tpu.memref_slice %arg5[%mul3A_90] : memref<4096xi32, #tpu.memory_space<vmem>> -> memref<64xi32, #tpu.memory_space<vmem>>
      %dma_wait3A_180 = arith.constant 0 : i32
      %dma_wait3A_181 = arith.constant 0 : i32
      %dma_wait3A_182 = tpu.memref_slice %arg2[%dma_wait3A_180, %dma_wait3A_181] : memref<4096x128xf32, #tpu.memory_space<hbm>> -> memref<4096x128xf32, #tpu.memory_space<hbm>>
      tpu.wait_indirect_dma semaphore(%arg7 : memref<!tpu.dma_semaphore, #tpu.memory_space<semaphore_mem>>) src(%dma_wait3A_182 : memref<4096x128xf32, #tpu.memory_space<hbm>>) dst(%dma_wait3A_178 : memref<64x128xf32, #tpu.memory_space<vmem>>)
      %dma_wait3A_183 = arith.constant 6 : i32
      %dma_wait3A_184 = arith.constant 0 : i32
      %dma_wait3A_185 = arith.constant 0 : i32
      %dma_wait3A_186 = tpu.memref_slice %arg6[%dma_wait3A_183, %dma_wait3A_184, %dma_wait3A_185] : memref<8x64x128xf32, #tpu.memory_space<vmem>> -> memref<1x64x128xf32, #tpu.memory_space<vmem>>
      %dma_wait3A_187 = tpu.memref_squeeze %dma_wait3A_186 : memref<1x64x128xf32, #tpu.memory_space<vmem>> -> memref<64x128xf32, #tpu.memory_space<vmem>>
      %dma_wait3A_188 = tpu.memref_slice %arg5[%mul3A_105] : memref<4096xi32, #tpu.memory_space<vmem>> -> memref<64xi32, #tpu.memory_space<vmem>>
      %dma_wait3A_189 = arith.constant 0 : i32
      %dma_wait3A_190 = arith.constant 0 : i32
      %dma_wait3A_191 = tpu.memref_slice %arg2[%dma_wait3A_189, %dma_wait3A_190] : memref<4096x128xf32, #tpu.memory_space<hbm>> -> memref<4096x128xf32, #tpu.memory_space<hbm>>
      tpu.wait_indirect_dma semaphore(%arg7 : memref<!tpu.dma_semaphore, #tpu.memory_space<semaphore_mem>>) src(%dma_wait3A_191 : memref<4096x128xf32, #tpu.memory_space<hbm>>) dst(%dma_wait3A_187 : memref<64x128xf32, #tpu.memory_space<vmem>>)
      %dma_wait3A_192 = arith.constant 7 : i32
      %dma_wait3A_193 = arith.constant 0 : i32
      %dma_wait3A_194 = arith.constant 0 : i32
      %dma_wait3A_195 = tpu.memref_slice %arg6[%dma_wait3A_192, %dma_wait3A_193, %dma_wait3A_194] : memref<8x64x128xf32, #tpu.memory_space<vmem>> -> memref<1x64x128xf32, #tpu.memory_space<vmem>>
      %dma_wait3A_196 = tpu.memref_squeeze %dma_wait3A_195 : memref<1x64x128xf32, #tpu.memory_space<vmem>> -> memref<64x128xf32, #tpu.memory_space<vmem>>
      %dma_wait3A_197 = tpu.memref_slice %arg5[%mul3A_120] : memref<4096xi32, #tpu.memory_space<vmem>> -> memref<64xi32, #tpu.memory_space<vmem>>
      %dma_wait3A_198 = arith.constant 0 : i32
      %dma_wait3A_199 = arith.constant 0 : i32
      %dma_wait3A_200 = tpu.memref_slice %arg2[%dma_wait3A_198, %dma_wait3A_199] : memref<4096x128xf32, #tpu.memory_space<hbm>> -> memref<4096x128xf32, #tpu.memory_space<hbm>>
      tpu.wait_indirect_dma semaphore(%arg7 : memref<!tpu.dma_semaphore, #tpu.memory_space<semaphore_mem>>) src(%dma_wait3A_200 : memref<4096x128xf32, #tpu.memory_space<hbm>>) dst(%dma_wait3A_196 : memref<64x128xf32, #tpu.memory_space<vmem>>)
      %mul3A_201 = arith.constant 8 : i32
      %mul3A_202 = arith.muli %scan3A_9, %mul3A_201 : i32
      %add3A_203 = arith.constant 0 : i32
      %add3A_204 = arith.addi %mul3A_202, %add3A_203 : i32
      %mul3A_205 = arith.constant 64 : i32
      %mul3A_206 = arith.muli %add3A_204, %mul3A_205 : i32
      %add3A_207 = arith.addi %mul3A_2, %mul3A_206 : i32
      %dma_start3A_208 = arith.constant 0 : i32
      %dma_start3A_209 = arith.constant 0 : i32
      %dma_start3A_210 = arith.constant 0 : i32
      %dma_start3A_211 = tpu.memref_slice %arg6[%dma_start3A_208, %dma_start3A_209, %dma_start3A_210] : memref<8x64x128xf32, #tpu.memory_space<vmem>> -> memref<1x64x128xf32, #tpu.memory_space<vmem>>
      %dma_start3A_212 = tpu.memref_squeeze %dma_start3A_211 : memref<1x64x128xf32, #tpu.memory_space<vmem>> -> memref<64x128xf32, #tpu.memory_space<vmem>>
      %dma_start3A_213 = arith.constant 0 : i32
      %dma_start3A_214 = tpu.memref_slice %arg4[%add3A_207, %dma_start3A_213] : memref<131072x128xf32, #tpu.memory_space<hbm>> -> memref<64x128xf32, #tpu.memory_space<hbm>>
      %dma_start3A_215 = arith.constant 0 : i32
      %dma_start3A_216 = tpu.memref_slice %arg4[%add3A_207, %dma_start3A_215] : memref<131072x128xf32, #tpu.memory_space<hbm>> -> memref<64x128xf32, #tpu.memory_space<hbm>>
      %dma_start3A_217 = arith.constant 0 : i32
      %dma_start3A_218 = arith.constant 0 : i32
      %dma_start3A_219 = tpu.memref_slice %arg6[%dma_start3A_208, %dma_start3A_217, %dma_start3A_218] : memref<8x64x128xf32, #tpu.memory_space<vmem>> -> memref<1x64x128xf32, #tpu.memory_space<vmem>>
      %dma_start3A_220 = tpu.memref_squeeze %dma_start3A_219 : memref<1x64x128xf32, #tpu.memory_space<vmem>> -> memref<64x128xf32, #tpu.memory_space<vmem>>
      tpu.enqueue_dma source(%dma_start3A_220 : memref<64x128xf32, #tpu.memory_space<vmem>>) target(%dma_start3A_216 : memref<64x128xf32, #tpu.memory_space<hbm>>) target_semaphore(%arg8 : memref<!tpu.dma_semaphore, #tpu.memory_space<semaphore_mem>>)
      %mul3A_221 = arith.constant 8 : i32
      %mul3A_222 = arith.muli %scan3A_9, %mul3A_221 : i32
      %add3A_223 = arith.constant 1 : i32
      %add3A_224 = arith.addi %mul3A_222, %add3A_223 : i32
      %mul3A_225 = arith.constant 64 : i32
      %mul3A_226 = arith.muli %add3A_224, %mul3A_225 : i32
      %add3A_227 = arith.addi %mul3A_2, %mul3A_226 : i32
      %dma_start3A_228 = arith.constant 1 : i32
      %dma_start3A_229 = arith.constant 0 : i32
      %dma_start3A_230 = arith.constant 0 : i32
      %dma_start3A_231 = tpu.memref_slice %arg6[%dma_start3A_228, %dma_start3A_229, %dma_start3A_230] : memref<8x64x128xf32, #tpu.memory_space<vmem>> -> memref<1x64x128xf32, #tpu.memory_space<vmem>>
      %dma_start3A_232 = tpu.memref_squeeze %dma_start3A_231 : memref<1x64x128xf32, #tpu.memory_space<vmem>> -> memref<64x128xf32, #tpu.memory_space<vmem>>
      %dma_start3A_233 = arith.constant 0 : i32
      %dma_start3A_234 = tpu.memref_slice %arg4[%add3A_227, %dma_start3A_233] : memref<131072x128xf32, #tpu.memory_space<hbm>> -> memref<64x128xf32, #tpu.memory_space<hbm>>
      %dma_start3A_235 = arith.constant 0 : i32
      %dma_start3A_236 = tpu.memref_slice %arg4[%add3A_227, %dma_start3A_235] : memref<131072x128xf32, #tpu.memory_space<hbm>> -> memref<64x128xf32, #tpu.memory_space<hbm>>
      %dma_start3A_237 = arith.constant 0 : i32
      %dma_start3A_238 = arith.constant 0 : i32
      %dma_start3A_239 = tpu.memref_slice %arg6[%dma_start3A_228, %dma_start3A_237, %dma_start3A_238] : memref<8x64x128xf32, #tpu.memory_space<vmem>> -> memref<1x64x128xf32, #tpu.memory_space<vmem>>
      %dma_start3A_240 = tpu.memref_squeeze %dma_start3A_239 : memref<1x64x128xf32, #tpu.memory_space<vmem>> -> memref<64x128xf32, #tpu.memory_space<vmem>>
      tpu.enqueue_dma source(%dma_start3A_240 : memref<64x128xf32, #tpu.memory_space<vmem>>) target(%dma_start3A_236 : memref<64x128xf32, #tpu.memory_space<hbm>>) target_semaphore(%arg8 : memref<!tpu.dma_semaphore, #tpu.memory_space<semaphore_mem>>)
      %mul3A_241 = arith.constant 8 : i32
      %mul3A_242 = arith.muli %scan3A_9, %mul3A_241 : i32
      %add3A_243 = arith.constant 2 : i32
      %add3A_244 = arith.addi %mul3A_242, %add3A_243 : i32
      %mul3A_245 = arith.constant 64 : i32
      %mul3A_246 = arith.muli %add3A_244, %mul3A_245 : i32
      %add3A_247 = arith.addi %mul3A_2, %mul3A_246 : i32
      %dma_start3A_248 = arith.constant 2 : i32
      %dma_start3A_249 = arith.constant 0 : i32
      %dma_start3A_250 = arith.constant 0 : i32
      %dma_start3A_251 = tpu.memref_slice %arg6[%dma_start3A_248, %dma_start3A_249, %dma_start3A_250] : memref<8x64x128xf32, #tpu.memory_space<vmem>> -> memref<1x64x128xf32, #tpu.memory_space<vmem>>
      %dma_start3A_252 = tpu.memref_squeeze %dma_start3A_251 : memref<1x64x128xf32, #tpu.memory_space<vmem>> -> memref<64x128xf32, #tpu.memory_space<vmem>>
      %dma_start3A_253 = arith.constant 0 : i32
      %dma_start3A_254 = tpu.memref_slice %arg4[%add3A_247, %dma_start3A_253] : memref<131072x128xf32, #tpu.memory_space<hbm>> -> memref<64x128xf32, #tpu.memory_space<hbm>>
      %dma_start3A_255 = arith.constant 0 : i32
      %dma_start3A_256 = tpu.memref_slice %arg4[%add3A_247, %dma_start3A_255] : memref<131072x128xf32, #tpu.memory_space<hbm>> -> memref<64x128xf32, #tpu.memory_space<hbm>>
      %dma_start3A_257 = arith.constant 0 : i32
      %dma_start3A_258 = arith.constant 0 : i32
      %dma_start3A_259 = tpu.memref_slice %arg6[%dma_start3A_248, %dma_start3A_257, %dma_start3A_258] : memref<8x64x128xf32, #tpu.memory_space<vmem>> -> memref<1x64x128xf32, #tpu.memory_space<vmem>>
      %dma_start3A_260 = tpu.memref_squeeze %dma_start3A_259 : memref<1x64x128xf32, #tpu.memory_space<vmem>> -> memref<64x128xf32, #tpu.memory_space<vmem>>
      tpu.enqueue_dma source(%dma_start3A_260 : memref<64x128xf32, #tpu.memory_space<vmem>>) target(%dma_start3A_256 : memref<64x128xf32, #tpu.memory_space<hbm>>) target_semaphore(%arg8 : memref<!tpu.dma_semaphore, #tpu.memory_space<semaphore_mem>>)
      %mul3A_261 = arith.constant 8 : i32
      %mul3A_262 = arith.muli %scan3A_9, %mul3A_261 : i32
      %add3A_263 = arith.constant 3 : i32
      %add3A_264 = arith.addi %mul3A_262, %add3A_263 : i32
      %mul3A_265 = arith.constant 64 : i32
      %mul3A_266 = arith.muli %add3A_264, %mul3A_265 : i32
      %add3A_267 = arith.addi %mul3A_2, %mul3A_266 : i32
      %dma_start3A_268 = arith.constant 3 : i32
      %dma_start3A_269 = arith.constant 0 : i32
      %dma_start3A_270 = arith.constant 0 : i32
      %dma_start3A_271 = tpu.memref_slice %arg6[%dma_start3A_268, %dma_start3A_269, %dma_start3A_270] : memref<8x64x128xf32, #tpu.memory_space<vmem>> -> memref<1x64x128xf32, #tpu.memory_space<vmem>>
      %dma_start3A_272 = tpu.memref_squeeze %dma_start3A_271 : memref<1x64x128xf32, #tpu.memory_space<vmem>> -> memref<64x128xf32, #tpu.memory_space<vmem>>
      %dma_start3A_273 = arith.constant 0 : i32
      %dma_start3A_274 = tpu.memref_slice %arg4[%add3A_267, %dma_start3A_273] : memref<131072x128xf32, #tpu.memory_space<hbm>> -> memref<64x128xf32, #tpu.memory_space<hbm>>
      %dma_start3A_275 = arith.constant 0 : i32
      %dma_start3A_276 = tpu.memref_slice %arg4[%add3A_267, %dma_start3A_275] : memref<131072x128xf32, #tpu.memory_space<hbm>> -> memref<64x128xf32, #tpu.memory_space<hbm>>
      %dma_start3A_277 = arith.constant 0 : i32
      %dma_start3A_278 = arith.constant 0 : i32
      %dma_start3A_279 = tpu.memref_slice %arg6[%dma_start3A_268, %dma_start3A_277, %dma_start3A_278] : memref<8x64x128xf32, #tpu.memory_space<vmem>> -> memref<1x64x128xf32, #tpu.memory_space<vmem>>
      %dma_start3A_280 = tpu.memref_squeeze %dma_start3A_279 : memref<1x64x128xf32, #tpu.memory_space<vmem>> -> memref<64x128xf32, #tpu.memory_space<vmem>>
      tpu.enqueue_dma source(%dma_start3A_280 : memref<64x128xf32, #tpu.memory_space<vmem>>) target(%dma_start3A_276 : memref<64x128xf32, #tpu.memory_space<hbm>>) target_semaphore(%arg8 : memref<!tpu.dma_semaphore, #tpu.memory_space<semaphore_mem>>)
      %mul3A_281 = arith.constant 8 : i32
      %mul3A_282 = arith.muli %scan3A_9, %mul3A_281 : i32
      %add3A_283 = arith.constant 4 : i32
      %add3A_284 = arith.addi %mul3A_282, %add3A_283 : i32
      %mul3A_285 = arith.constant 64 : i32
      %mul3A_286 = arith.muli %add3A_284, %mul3A_285 : i32
      %add3A_287 = arith.addi %mul3A_2, %mul3A_286 : i32
      %dma_start3A_288 = arith.constant 4 : i32
      %dma_start3A_289 = arith.constant 0 : i32
      %dma_start3A_290 = arith.constant 0 : i32
      %dma_start3A_291 = tpu.memref_slice %arg6[%dma_start3A_288, %dma_start3A_289, %dma_start3A_290] : memref<8x64x128xf32, #tpu.memory_space<vmem>> -> memref<1x64x128xf32, #tpu.memory_space<vmem>>
      %dma_start3A_292 = tpu.memref_squeeze %dma_start3A_291 : memref<1x64x128xf32, #tpu.memory_space<vmem>> -> memref<64x128xf32, #tpu.memory_space<vmem>>
      %dma_start3A_293 = arith.constant 0 : i32
      %dma_start3A_294 = tpu.memref_slice %arg4[%add3A_287, %dma_start3A_293] : memref<131072x128xf32, #tpu.memory_space<hbm>> -> memref<64x128xf32, #tpu.memory_space<hbm>>
      %dma_start3A_295 = arith.constant 0 : i32
      %dma_start3A_296 = tpu.memref_slice %arg4[%add3A_287, %dma_start3A_295] : memref<131072x128xf32, #tpu.memory_space<hbm>> -> memref<64x128xf32, #tpu.memory_space<hbm>>
      %dma_start3A_297 = arith.constant 0 : i32
      %dma_start3A_298 = arith.constant 0 : i32
      %dma_start3A_299 = tpu.memref_slice %arg6[%dma_start3A_288, %dma_start3A_297, %dma_start3A_298] : memref<8x64x128xf32, #tpu.memory_space<vmem>> -> memref<1x64x128xf32, #tpu.memory_space<vmem>>
      %dma_start3A_300 = tpu.memref_squeeze %dma_start3A_299 : memref<1x64x128xf32, #tpu.memory_space<vmem>> -> memref<64x128xf32, #tpu.memory_space<vmem>>
      tpu.enqueue_dma source(%dma_start3A_300 : memref<64x128xf32, #tpu.memory_space<vmem>>) target(%dma_start3A_296 : memref<64x128xf32, #tpu.memory_space<hbm>>) target_semaphore(%arg8 : memref<!tpu.dma_semaphore, #tpu.memory_space<semaphore_mem>>)
      %mul3A_301 = arith.constant 8 : i32
      %mul3A_302 = arith.muli %scan3A_9, %mul3A_301 : i32
      %add3A_303 = arith.constant 5 : i32
      %add3A_304 = arith.addi %mul3A_302, %add3A_303 : i32
      %mul3A_305 = arith.constant 64 : i32
      %mul3A_306 = arith.muli %add3A_304, %mul3A_305 : i32
      %add3A_307 = arith.addi %mul3A_2, %mul3A_306 : i32
      %dma_start3A_308 = arith.constant 5 : i32
      %dma_start3A_309 = arith.constant 0 : i32
      %dma_start3A_310 = arith.constant 0 : i32
      %dma_start3A_311 = tpu.memref_slice %arg6[%dma_start3A_308, %dma_start3A_309, %dma_start3A_310] : memref<8x64x128xf32, #tpu.memory_space<vmem>> -> memref<1x64x128xf32, #tpu.memory_space<vmem>>
      %dma_start3A_312 = tpu.memref_squeeze %dma_start3A_311 : memref<1x64x128xf32, #tpu.memory_space<vmem>> -> memref<64x128xf32, #tpu.memory_space<vmem>>
      %dma_start3A_313 = arith.constant 0 : i32
      %dma_start3A_314 = tpu.memref_slice %arg4[%add3A_307, %dma_start3A_313] : memref<131072x128xf32, #tpu.memory_space<hbm>> -> memref<64x128xf32, #tpu.memory_space<hbm>>
      %dma_start3A_315 = arith.constant 0 : i32
      %dma_start3A_316 = tpu.memref_slice %arg4[%add3A_307, %dma_start3A_315] : memref<131072x128xf32, #tpu.memory_space<hbm>> -> memref<64x128xf32, #tpu.memory_space<hbm>>
      %dma_start3A_317 = arith.constant 0 : i32
      %dma_start3A_318 = arith.constant 0 : i32
      %dma_start3A_319 = tpu.memref_slice %arg6[%dma_start3A_308, %dma_start3A_317, %dma_start3A_318] : memref<8x64x128xf32, #tpu.memory_space<vmem>> -> memref<1x64x128xf32, #tpu.memory_space<vmem>>
      %dma_start3A_320 = tpu.memref_squeeze %dma_start3A_319 : memref<1x64x128xf32, #tpu.memory_space<vmem>> -> memref<64x128xf32, #tpu.memory_space<vmem>>
      tpu.enqueue_dma source(%dma_start3A_320 : memref<64x128xf32, #tpu.memory_space<vmem>>) target(%dma_start3A_316 : memref<64x128xf32, #tpu.memory_space<hbm>>) target_semaphore(%arg8 : memref<!tpu.dma_semaphore, #tpu.memory_space<semaphore_mem>>)
      %mul3A_321 = arith.constant 8 : i32
      %mul3A_322 = arith.muli %scan3A_9, %mul3A_321 : i32
      %add3A_323 = arith.constant 6 : i32
      %add3A_324 = arith.addi %mul3A_322, %add3A_323 : i32
      %mul3A_325 = arith.constant 64 : i32
      %mul3A_326 = arith.muli %add3A_324, %mul3A_325 : i32
      %add3A_327 = arith.addi %mul3A_2, %mul3A_326 : i32
      %dma_start3A_328 = arith.constant 6 : i32
      %dma_start3A_329 = arith.constant 0 : i32
      %dma_start3A_330 = arith.constant 0 : i32
      %dma_start3A_331 = tpu.memref_slice %arg6[%dma_start3A_328, %dma_start3A_329, %dma_start3A_330] : memref<8x64x128xf32, #tpu.memory_space<vmem>> -> memref<1x64x128xf32, #tpu.memory_space<vmem>>
      %dma_start3A_332 = tpu.memref_squeeze %dma_start3A_331 : memref<1x64x128xf32, #tpu.memory_space<vmem>> -> memref<64x128xf32, #tpu.memory_space<vmem>>
      %dma_start3A_333 = arith.constant 0 : i32
      %dma_start3A_334 = tpu.memref_slice %arg4[%add3A_327, %dma_start3A_333] : memref<131072x128xf32, #tpu.memory_space<hbm>> -> memref<64x128xf32, #tpu.memory_space<hbm>>
      %dma_start3A_335 = arith.constant 0 : i32
      %dma_start3A_336 = tpu.memref_slice %arg4[%add3A_327, %dma_start3A_335] : memref<131072x128xf32, #tpu.memory_space<hbm>> -> memref<64x128xf32, #tpu.memory_space<hbm>>
      %dma_start3A_337 = arith.constant 0 : i32
      %dma_start3A_338 = arith.constant 0 : i32
      %dma_start3A_339 = tpu.memref_slice %arg6[%dma_start3A_328, %dma_start3A_337, %dma_start3A_338] : memref<8x64x128xf32, #tpu.memory_space<vmem>> -> memref<1x64x128xf32, #tpu.memory_space<vmem>>
      %dma_start3A_340 = tpu.memref_squeeze %dma_start3A_339 : memref<1x64x128xf32, #tpu.memory_space<vmem>> -> memref<64x128xf32, #tpu.memory_space<vmem>>
      tpu.enqueue_dma source(%dma_start3A_340 : memref<64x128xf32, #tpu.memory_space<vmem>>) target(%dma_start3A_336 : memref<64x128xf32, #tpu.memory_space<hbm>>) target_semaphore(%arg8 : memref<!tpu.dma_semaphore, #tpu.memory_space<semaphore_mem>>)
      %mul3A_341 = arith.constant 8 : i32
      %mul3A_342 = arith.muli %scan3A_9, %mul3A_341 : i32
      %add3A_343 = arith.constant 7 : i32
      %add3A_344 = arith.addi %mul3A_342, %add3A_343 : i32
      %mul3A_345 = arith.constant 64 : i32
      %mul3A_346 = arith.muli %add3A_344, %mul3A_345 : i32
      %add3A_347 = arith.addi %mul3A_2, %mul3A_346 : i32
      %dma_start3A_348 = arith.constant 7 : i32
      %dma_start3A_349 = arith.constant 0 : i32
      %dma_start3A_350 = arith.constant 0 : i32
      %dma_start3A_351 = tpu.memref_slice %arg6[%dma_start3A_348, %dma_start3A_349, %dma_start3A_350] : memref<8x64x128xf32, #tpu.memory_space<vmem>> -> memref<1x64x128xf32, #tpu.memory_space<vmem>>
      %dma_start3A_352 = tpu.memref_squeeze %dma_start3A_351 : memref<1x64x128xf32, #tpu.memory_space<vmem>> -> memref<64x128xf32, #tpu.memory_space<vmem>>
      %dma_start3A_353 = arith.constant 0 : i32
      %dma_start3A_354 = tpu.memref_slice %arg4[%add3A_347, %dma_start3A_353] : memref<131072x128xf32, #tpu.memory_space<hbm>> -> memref<64x128xf32, #tpu.memory_space<hbm>>
      %dma_start3A_355 = arith.constant 0 : i32
      %dma_start3A_356 = tpu.memref_slice %arg4[%add3A_347, %dma_start3A_355] : memref<131072x128xf32, #tpu.memory_space<hbm>> -> memref<64x128xf32, #tpu.memory_space<hbm>>
      %dma_start3A_357 = arith.constant 0 : i32
      %dma_start3A_358 = arith.constant 0 : i32
      %dma_start3A_359 = tpu.memref_slice %arg6[%dma_start3A_348, %dma_start3A_357, %dma_start3A_358] : memref<8x64x128xf32, #tpu.memory_space<vmem>> -> memref<1x64x128xf32, #tpu.memory_space<vmem>>
      %dma_start3A_360 = tpu.memref_squeeze %dma_start3A_359 : memref<1x64x128xf32, #tpu.memory_space<vmem>> -> memref<64x128xf32, #tpu.memory_space<vmem>>
      tpu.enqueue_dma source(%dma_start3A_360 : memref<64x128xf32, #tpu.memory_space<vmem>>) target(%dma_start3A_356 : memref<64x128xf32, #tpu.memory_space<hbm>>) target_semaphore(%arg8 : memref<!tpu.dma_semaphore, #tpu.memory_space<semaphore_mem>>)
      %dma_wait3A_361 = arith.constant 0 : i32
      %dma_wait3A_362 = arith.constant 0 : i32
      %dma_wait3A_363 = arith.constant 0 : i32
      %dma_wait3A_364 = tpu.memref_slice %arg6[%dma_wait3A_361, %dma_wait3A_362, %dma_wait3A_363] : memref<8x64x128xf32, #tpu.memory_space<vmem>> -> memref<1x64x128xf32, #tpu.memory_space<vmem>>
      %dma_wait3A_365 = tpu.memref_squeeze %dma_wait3A_364 : memref<1x64x128xf32, #tpu.memory_space<vmem>> -> memref<64x128xf32, #tpu.memory_space<vmem>>
      %dma_wait3A_366 = arith.constant 0 : i32
      %dma_wait3A_367 = tpu.memref_slice %arg4[%add3A_207, %dma_wait3A_366] : memref<131072x128xf32, #tpu.memory_space<hbm>> -> memref<64x128xf32, #tpu.memory_space<hbm>>
      %dma_wait3A_368 = arith.constant 0 : i32
      %dma_wait3A_369 = tpu.memref_slice %arg4[%add3A_207, %dma_wait3A_368] : memref<131072x128xf32, #tpu.memory_space<hbm>> -> memref<64x128xf32, #tpu.memory_space<hbm>>
      %dma_wait3A_370 = arith.constant 0 : i32
      %dma_wait3A_371 = arith.constant 0 : i32
      %dma_wait3A_372 = tpu.memref_slice %arg6[%dma_wait3A_361, %dma_wait3A_370, %dma_wait3A_371] : memref<8x64x128xf32, #tpu.memory_space<vmem>> -> memref<1x64x128xf32, #tpu.memory_space<vmem>>
      %dma_wait3A_373 = tpu.memref_squeeze %dma_wait3A_372 : memref<1x64x128xf32, #tpu.memory_space<vmem>> -> memref<64x128xf32, #tpu.memory_space<vmem>>
      tpu.wait_dma2 semaphore(%arg8 : memref<!tpu.dma_semaphore, #tpu.memory_space<semaphore_mem>>) src(%dma_wait3A_373 : memref<64x128xf32, #tpu.memory_space<vmem>>) dst(%dma_wait3A_369 : memref<64x128xf32, #tpu.memory_space<hbm>>)
      %dma_wait3A_374 = arith.constant 1 : i32
      %dma_wait3A_375 = arith.constant 0 : i32
      %dma_wait3A_376 = arith.constant 0 : i32
      %dma_wait3A_377 = tpu.memref_slice %arg6[%dma_wait3A_374, %dma_wait3A_375, %dma_wait3A_376] : memref<8x64x128xf32, #tpu.memory_space<vmem>> -> memref<1x64x128xf32, #tpu.memory_space<vmem>>
      %dma_wait3A_378 = tpu.memref_squeeze %dma_wait3A_377 : memref<1x64x128xf32, #tpu.memory_space<vmem>> -> memref<64x128xf32, #tpu.memory_space<vmem>>
      %dma_wait3A_379 = arith.constant 0 : i32
      %dma_wait3A_380 = tpu.memref_slice %arg4[%add3A_227, %dma_wait3A_379] : memref<131072x128xf32, #tpu.memory_space<hbm>> -> memref<64x128xf32, #tpu.memory_space<hbm>>
      %dma_wait3A_381 = arith.constant 0 : i32
      %dma_wait3A_382 = tpu.memref_slice %arg4[%add3A_227, %dma_wait3A_381] : memref<131072x128xf32, #tpu.memory_space<hbm>> -> memref<64x128xf32, #tpu.memory_space<hbm>>
      %dma_wait3A_383 = arith.constant 0 : i32
      %dma_wait3A_384 = arith.constant 0 : i32
      %dma_wait3A_385 = tpu.memref_slice %arg6[%dma_wait3A_374, %dma_wait3A_383, %dma_wait3A_384] : memref<8x64x128xf32, #tpu.memory_space<vmem>> -> memref<1x64x128xf32, #tpu.memory_space<vmem>>
      %dma_wait3A_386 = tpu.memref_squeeze %dma_wait3A_385 : memref<1x64x128xf32, #tpu.memory_space<vmem>> -> memref<64x128xf32, #tpu.memory_space<vmem>>
      tpu.wait_dma2 semaphore(%arg8 : memref<!tpu.dma_semaphore, #tpu.memory_space<semaphore_mem>>) src(%dma_wait3A_386 : memref<64x128xf32, #tpu.memory_space<vmem>>) dst(%dma_wait3A_382 : memref<64x128xf32, #tpu.memory_space<hbm>>)
      %dma_wait3A_387 = arith.constant 2 : i32
      %dma_wait3A_388 = arith.constant 0 : i32
      %dma_wait3A_389 = arith.constant 0 : i32
      %dma_wait3A_390 = tpu.memref_slice %arg6[%dma_wait3A_387, %dma_wait3A_388, %dma_wait3A_389] : memref<8x64x128xf32, #tpu.memory_space<vmem>> -> memref<1x64x128xf32, #tpu.memory_space<vmem>>
      %dma_wait3A_391 = tpu.memref_squeeze %dma_wait3A_390 : memref<1x64x128xf32, #tpu.memory_space<vmem>> -> memref<64x128xf32, #tpu.memory_space<vmem>>
      %dma_wait3A_392 = arith.constant 0 : i32
      %dma_wait3A_393 = tpu.memref_slice %arg4[%add3A_247, %dma_wait3A_392] : memref<131072x128xf32, #tpu.memory_space<hbm>> -> memref<64x128xf32, #tpu.memory_space<hbm>>
      %dma_wait3A_394 = arith.constant 0 : i32
      %dma_wait3A_395 = tpu.memref_slice %arg4[%add3A_247, %dma_wait3A_394] : memref<131072x128xf32, #tpu.memory_space<hbm>> -> memref<64x128xf32, #tpu.memory_space<hbm>>
      %dma_wait3A_396 = arith.constant 0 : i32
      %dma_wait3A_397 = arith.constant 0 : i32
      %dma_wait3A_398 = tpu.memref_slice %arg6[%dma_wait3A_387, %dma_wait3A_396, %dma_wait3A_397] : memref<8x64x128xf32, #tpu.memory_space<vmem>> -> memref<1x64x128xf32, #tpu.memory_space<vmem>>
      %dma_wait3A_399 = tpu.memref_squeeze %dma_wait3A_398 : memref<1x64x128xf32, #tpu.memory_space<vmem>> -> memref<64x128xf32, #tpu.memory_space<vmem>>
      tpu.wait_dma2 semaphore(%arg8 : memref<!tpu.dma_semaphore, #tpu.memory_space<semaphore_mem>>) src(%dma_wait3A_399 : memref<64x128xf32, #tpu.memory_space<vmem>>) dst(%dma_wait3A_395 : memref<64x128xf32, #tpu.memory_space<hbm>>)
      %dma_wait3A_400 = arith.constant 3 : i32
      %dma_wait3A_401 = arith.constant 0 : i32
      %dma_wait3A_402 = arith.constant 0 : i32
      %dma_wait3A_403 = tpu.memref_slice %arg6[%dma_wait3A_400, %dma_wait3A_401, %dma_wait3A_402] : memref<8x64x128xf32, #tpu.memory_space<vmem>> -> memref<1x64x128xf32, #tpu.memory_space<vmem>>
      %dma_wait3A_404 = tpu.memref_squeeze %dma_wait3A_403 : memref<1x64x128xf32, #tpu.memory_space<vmem>> -> memref<64x128xf32, #tpu.memory_space<vmem>>
      %dma_wait3A_405 = arith.constant 0 : i32
      %dma_wait3A_406 = tpu.memref_slice %arg4[%add3A_267, %dma_wait3A_405] : memref<131072x128xf32, #tpu.memory_space<hbm>> -> memref<64x128xf32, #tpu.memory_space<hbm>>
      %dma_wait3A_407 = arith.constant 0 : i32
      %dma_wait3A_408 = tpu.memref_slice %arg4[%add3A_267, %dma_wait3A_407] : memref<131072x128xf32, #tpu.memory_space<hbm>> -> memref<64x128xf32, #tpu.memory_space<hbm>>
      %dma_wait3A_409 = arith.constant 0 : i32
      %dma_wait3A_410 = arith.constant 0 : i32
      %dma_wait3A_411 = tpu.memref_slice %arg6[%dma_wait3A_400, %dma_wait3A_409, %dma_wait3A_410] : memref<8x64x128xf32, #tpu.memory_space<vmem>> -> memref<1x64x128xf32, #tpu.memory_space<vmem>>
      %dma_wait3A_412 = tpu.memref_squeeze %dma_wait3A_411 : memref<1x64x128xf32, #tpu.memory_space<vmem>> -> memref<64x128xf32, #tpu.memory_space<vmem>>
      tpu.wait_dma2 semaphore(%arg8 : memref<!tpu.dma_semaphore, #tpu.memory_space<semaphore_mem>>) src(%dma_wait3A_412 : memref<64x128xf32, #tpu.memory_space<vmem>>) dst(%dma_wait3A_408 : memref<64x128xf32, #tpu.memory_space<hbm>>)
      %dma_wait3A_413 = arith.constant 4 : i32
      %dma_wait3A_414 = arith.constant 0 : i32
      %dma_wait3A_415 = arith.constant 0 : i32
      %dma_wait3A_416 = tpu.memref_slice %arg6[%dma_wait3A_413, %dma_wait3A_414, %dma_wait3A_415] : memref<8x64x128xf32, #tpu.memory_space<vmem>> -> memref<1x64x128xf32, #tpu.memory_space<vmem>>
      %dma_wait3A_417 = tpu.memref_squeeze %dma_wait3A_416 : memref<1x64x128xf32, #tpu.memory_space<vmem>> -> memref<64x128xf32, #tpu.memory_space<vmem>>
      %dma_wait3A_418 = arith.constant 0 : i32
      %dma_wait3A_419 = tpu.memref_slice %arg4[%add3A_287, %dma_wait3A_418] : memref<131072x128xf32, #tpu.memory_space<hbm>> -> memref<64x128xf32, #tpu.memory_space<hbm>>
      %dma_wait3A_420 = arith.constant 0 : i32
      %dma_wait3A_421 = tpu.memref_slice %arg4[%add3A_287, %dma_wait3A_420] : memref<131072x128xf32, #tpu.memory_space<hbm>> -> memref<64x128xf32, #tpu.memory_space<hbm>>
      %dma_wait3A_422 = arith.constant 0 : i32
      %dma_wait3A_423 = arith.constant 0 : i32
      %dma_wait3A_424 = tpu.memref_slice %arg6[%dma_wait3A_413, %dma_wait3A_422, %dma_wait3A_423] : memref<8x64x128xf32, #tpu.memory_space<vmem>> -> memref<1x64x128xf32, #tpu.memory_space<vmem>>
      %dma_wait3A_425 = tpu.memref_squeeze %dma_wait3A_424 : memref<1x64x128xf32, #tpu.memory_space<vmem>> -> memref<64x128xf32, #tpu.memory_space<vmem>>
      tpu.wait_dma2 semaphore(%arg8 : memref<!tpu.dma_semaphore, #tpu.memory_space<semaphore_mem>>) src(%dma_wait3A_425 : memref<64x128xf32, #tpu.memory_space<vmem>>) dst(%dma_wait3A_421 : memref<64x128xf32, #tpu.memory_space<hbm>>)
      %dma_wait3A_426 = arith.constant 5 : i32
      %dma_wait3A_427 = arith.constant 0 : i32
      %dma_wait3A_428 = arith.constant 0 : i32
      %dma_wait3A_429 = tpu.memref_slice %arg6[%dma_wait3A_426, %dma_wait3A_427, %dma_wait3A_428] : memref<8x64x128xf32, #tpu.memory_space<vmem>> -> memref<1x64x128xf32, #tpu.memory_space<vmem>>
      %dma_wait3A_430 = tpu.memref_squeeze %dma_wait3A_429 : memref<1x64x128xf32, #tpu.memory_space<vmem>> -> memref<64x128xf32, #tpu.memory_space<vmem>>
      %dma_wait3A_431 = arith.constant 0 : i32
      %dma_wait3A_432 = tpu.memref_slice %arg4[%add3A_307, %dma_wait3A_431] : memref<131072x128xf32, #tpu.memory_space<hbm>> -> memref<64x128xf32, #tpu.memory_space<hbm>>
      %dma_wait3A_433 = arith.constant 0 : i32
      %dma_wait3A_434 = tpu.memref_slice %arg4[%add3A_307, %dma_wait3A_433] : memref<131072x128xf32, #tpu.memory_space<hbm>> -> memref<64x128xf32, #tpu.memory_space<hbm>>
      %dma_wait3A_435 = arith.constant 0 : i32
      %dma_wait3A_436 = arith.constant 0 : i32
      %dma_wait3A_437 = tpu.memref_slice %arg6[%dma_wait3A_426, %dma_wait3A_435, %dma_wait3A_436] : memref<8x64x128xf32, #tpu.memory_space<vmem>> -> memref<1x64x128xf32, #tpu.memory_space<vmem>>
      %dma_wait3A_438 = tpu.memref_squeeze %dma_wait3A_437 : memref<1x64x128xf32, #tpu.memory_space<vmem>> -> memref<64x128xf32, #tpu.memory_space<vmem>>
      tpu.wait_dma2 semaphore(%arg8 : memref<!tpu.dma_semaphore, #tpu.memory_space<semaphore_mem>>) src(%dma_wait3A_438 : memref<64x128xf32, #tpu.memory_space<vmem>>) dst(%dma_wait3A_434 : memref<64x128xf32, #tpu.memory_space<hbm>>)
      %dma_wait3A_439 = arith.constant 6 : i32
      %dma_wait3A_440 = arith.constant 0 : i32
      %dma_wait3A_441 = arith.constant 0 : i32
      %dma_wait3A_442 = tpu.memref_slice %arg6[%dma_wait3A_439, %dma_wait3A_440, %dma_wait3A_441] : memref<8x64x128xf32, #tpu.memory_space<vmem>> -> memref<1x64x128xf32, #tpu.memory_space<vmem>>
      %dma_wait3A_443 = tpu.memref_squeeze %dma_wait3A_442 : memref<1x64x128xf32, #tpu.memory_space<vmem>> -> memref<64x128xf32, #tpu.memory_space<vmem>>
      %dma_wait3A_444 = arith.constant 0 : i32
      %dma_wait3A_445 = tpu.memref_slice %arg4[%add3A_327, %dma_wait3A_444] : memref<131072x128xf32, #tpu.memory_space<hbm>> -> memref<64x128xf32, #tpu.memory_space<hbm>>
      %dma_wait3A_446 = arith.constant 0 : i32
      %dma_wait3A_447 = tpu.memref_slice %arg4[%add3A_327, %dma_wait3A_446] : memref<131072x128xf32, #tpu.memory_space<hbm>> -> memref<64x128xf32, #tpu.memory_space<hbm>>
      %dma_wait3A_448 = arith.constant 0 : i32
      %dma_wait3A_449 = arith.constant 0 : i32
      %dma_wait3A_450 = tpu.memref_slice %arg6[%dma_wait3A_439, %dma_wait3A_448, %dma_wait3A_449] : memref<8x64x128xf32, #tpu.memory_space<vmem>> -> memref<1x64x128xf32, #tpu.memory_space<vmem>>
      %dma_wait3A_451 = tpu.memref_squeeze %dma_wait3A_450 : memref<1x64x128xf32, #tpu.memory_space<vmem>> -> memref<64x128xf32, #tpu.memory_space<vmem>>
      tpu.wait_dma2 semaphore(%arg8 : memref<!tpu.dma_semaphore, #tpu.memory_space<semaphore_mem>>) src(%dma_wait3A_451 : memref<64x128xf32, #tpu.memory_space<vmem>>) dst(%dma_wait3A_447 : memref<64x128xf32, #tpu.memory_space<hbm>>)
      %dma_wait3A_452 = arith.constant 7 : i32
      %dma_wait3A_453 = arith.constant 0 : i32
      %dma_wait3A_454 = arith.constant 0 : i32
      %dma_wait3A_455 = tpu.memref_slice %arg6[%dma_wait3A_452, %dma_wait3A_453, %dma_wait3A_454] : memref<8x64x128xf32, #tpu.memory_space<vmem>> -> memref<1x64x128xf32, #tpu.memory_space<vmem>>
      %dma_wait3A_456 = tpu.memref_squeeze %dma_wait3A_455 : memref<1x64x128xf32, #tpu.memory_space<vmem>> -> memref<64x128xf32, #tpu.memory_space<vmem>>
      %dma_wait3A_457 = arith.constant 0 : i32
      %dma_wait3A_458 = tpu.memref_slice %arg4[%add3A_347, %dma_wait3A_457] : memref<131072x128xf32, #tpu.memory_space<hbm>> -> memref<64x128xf32, #tpu.memory_space<hbm>>
      %dma_wait3A_459 = arith.constant 0 : i32
      %dma_wait3A_460 = tpu.memref_slice %arg4[%add3A_347, %dma_wait3A_459] : memref<131072x128xf32, #tpu.memory_space<hbm>> -> memref<64x128xf32, #tpu.memory_space<hbm>>
      %dma_wait3A_461 = arith.constant 0 : i32
      %dma_wait3A_462 = arith.constant 0 : i32
      %dma_wait3A_463 = tpu.memref_slice %arg6[%dma_wait3A_452, %dma_wait3A_461, %dma_wait3A_462] : memref<8x64x128xf32, #tpu.memory_space<vmem>> -> memref<1x64x128xf32, #tpu.memory_space<vmem>>
      %dma_wait3A_464 = tpu.memref_squeeze %dma_wait3A_463 : memref<1x64x128xf32, #tpu.memory_space<vmem>> -> memref<64x128xf32, #tpu.memory_space<vmem>>
      tpu.wait_dma2 semaphore(%arg8 : memref<!tpu.dma_semaphore, #tpu.memory_space<semaphore_mem>>) src(%dma_wait3A_464 : memref<64x128xf32, #tpu.memory_space<vmem>>) dst(%dma_wait3A_460 : memref<64x128xf32, #tpu.memory_space<hbm>>)
      %scan3A_465 = arith.constant 0 : i32
      scf.yield %scan3A_465 : i32
    }
    %scan3A_8 = arith.constant 8 : i32
    return
  }
}

module attributes {stable_mosaic.version = 14 : i64} {
  func.func @_pos_body(%arg0: i32, %arg1: i32, %arg2: memref<1x256x1024xf32, #tpu.memory_space<vmem>>, %arg3: memref<16x1024xf32, #tpu.memory_space<vmem>>, %arg4: memref<1x256x16xf32, #tpu.memory_space<vmem>>, %arg5: memref<1x16x256xi32, #tpu.memory_space<vmem>>, %arg6: memref<1x16x256xf32, #tpu.memory_space<vmem>>, %arg7: memref<8x128xf32, #tpu.memory_space<vmem>>) attributes {dimension_semantics = [#tpu.dimension_semantics<arbitrary>, #tpu.dimension_semantics<arbitrary>], iteration_bounds = array<i64: 2, 16>, scalar_prefetch = 0 : i64, scratch_operands = 1 : i64, tpu.core_type = #tpu.core_type<tc>, window_params = [{transform_indices = @transform_0, window_bounds = array<i64: 1, 256, 1024>}, {pipeline_mode = #tpu.pipeline_mode<synchronous>, transform_indices = @transform_1, window_bounds = array<i64: 16, 1024>}, {transform_indices = @transform_2, window_bounds = array<i64: 1, 256, 16>}, {transform_indices = @transform_3, window_bounds = array<i64: 1, 16, 256>}, {transform_indices = @transform_4, window_bounds = array<i64: 1, 16, 256>}]} {
    %eq3A = arith.constant 0 : i32
    %eq3A_0 = arith.cmpi eq, %arg1, %eq3A : i32
    %convert_element_type3A = arith.extui %eq3A_0 : i1 to i32
    %cond3A = arith.constant 0 : i32
    %cond3A_1 = arith.cmpi ne, %convert_element_type3A, %cond3A : i32
    scf.if %cond3A_1 {
      %broadcast_in_dim3A = arith.constant 0.000000e+00 : f32
      %broadcast_in_dim3A_70 = vector.broadcast %broadcast_in_dim3A : f32 to vector<8x128xf32>
      %swap3A_71 = arith.constant 0 : index
      %swap3A_72 = arith.constant 0 : index
      %swap3A_73 = vector.load %arg7[%swap3A_71, %swap3A_72] : memref<8x128xf32, #tpu.memory_space<vmem>>, vector<8x128xf32>
      tpu.vector_store %arg7[%swap3A_71, %swap3A_72], %broadcast_in_dim3A_70 {strides = array<i32>} : memref<8x128xf32, #tpu.memory_space<vmem>>, vector<8x128xf32>,
    } else {
    }
    %get3A = arith.constant 0 : index
    %get3A_2 = arith.constant 0 : index
    %get3A_3 = arith.constant 0 : index
    %get3A_4 = vector.load %arg2[%get3A, %get3A_2, %get3A_3] : memref<1x256x1024xf32, #tpu.memory_space<vmem>>, vector<1x256x1024xf32>
    %get3A_5 = vector.shape_cast %get3A_4 : vector<1x256x1024xf32> to vector<256x1024xf32>
    %get3A_6 = arith.constant 0 : index
    %get3A_7 = arith.constant 0 : index
    %get3A_8 = vector.load %arg3[%get3A_6, %get3A_7] : memref<16x1024xf32, #tpu.memory_space<vmem>>, vector<16x1024xf32>
    %convert_element_type3A_9 = arith.truncf %get3A_5 : vector<256x1024xf32> to vector<256x1024xbf16>
    %convert_element_type3A_10 = arith.extf %convert_element_type3A_9 : vector<256x1024xbf16> to vector<256x1024xf32>
    %sub3A = arith.subf %get3A_5, %convert_element_type3A_10 : vector<256x1024xf32>
    %convert_element_type3A_11 = arith.truncf %sub3A : vector<256x1024xf32> to vector<256x1024xbf16>
    %convert_element_type3A_12 = arith.truncf %get3A_8 : vector<16x1024xf32> to vector<16x1024xbf16>
    %convert_element_type3A_13 = arith.extf %convert_element_type3A_12 : vector<16x1024xbf16> to vector<16x1024xf32>
    %sub3A_14 = arith.subf %get3A_8, %convert_element_type3A_13 : vector<16x1024xf32>
    %convert_element_type3A_15 = arith.truncf %sub3A_14 : vector<16x1024xf32> to vector<16x1024xbf16>
    %dot_general3A = arith.constant dense<0.000000e+00> : vector<256x16xf32>
    %dot_general3A_16 = tpu.matmul %convert_element_type3A_9, %convert_element_type3A_12, %dot_general3A {dimension_numbers = #tpu.dot_dimension_numbers<[1], [1], [0], [0], [0, 0, 1, 0], [], []>, transpose_lhs_hint = false} : vector<256x1024xbf16>, vector<16x1024xbf16>, vector<256x16xf32> -> vector<256x16xf32>
    %dot_general3A_17 = arith.constant dense<0.000000e+00> : vector<256x16xf32>
    %dot_general3A_18 = tpu.matmul %convert_element_type3A_9, %convert_element_type3A_15, %dot_general3A_17 {dimension_numbers = #tpu.dot_dimension_numbers<[1], [1], [0], [0], [0, 0, 1, 0], [], []>, transpose_lhs_hint = false} : vector<256x1024xbf16>, vector<16x1024xbf16>, vector<256x16xf32> -> vector<256x16xf32>
    %dot_general3A_19 = arith.constant dense<0.000000e+00> : vector<256x16xf32>
    %dot_general3A_20 = tpu.matmul %convert_element_type3A_11, %convert_element_type3A_12, %dot_general3A_19 {dimension_numbers = #tpu.dot_dimension_numbers<[1], [1], [0], [0], [0, 0, 1, 0], [], []>, transpose_lhs_hint = false} : vector<256x1024xbf16>, vector<16x1024xbf16>, vector<256x16xf32> -> vector<256x16xf32>
    %add3A = arith.addf %dot_general3A_18, %dot_general3A_20 : vector<256x16xf32>
    %add3A_21 = arith.addf %dot_general3A_16, %add3A : vector<256x16xf32>
    %logistic3A = arith.negf %add3A_21 : vector<256x16xf32>
    %logistic3A_22 = math.exp %logistic3A : vector<256x16xf32>
    %logistic3A_23 = arith.constant 1.000000e+00 : f32
    %logistic3A_24 = vector.broadcast %logistic3A_23 : f32 to vector<256x16xf32>
    %logistic3A_25 = arith.addf %logistic3A_24, %logistic3A_22 : vector<256x16xf32>
    %logistic3A_26 = arith.divf %logistic3A_24, %logistic3A_25 : vector<256x16xf32>
    %iota3A = tpu.iota {dimensions = array<i32: 0>} : vector<256x256xi32>
    %iota3A_27 = tpu.iota {dimensions = array<i32: 1>} : vector<256x256xi32>
    %ge3A = arith.cmpi sge, %iota3A, %iota3A_27 : vector<256x256xi32>
    %convert_element_type3A_28 = arith.extui %ge3A : vector<256x256xi1> to vector<256x256xi32>
    %convert_element_type3A_29 = arith.sitofp %convert_element_type3A_28 : vector<256x256xi32> to vector<256x256xf32>
    %convert_element_type3A_30 = arith.truncf %convert_element_type3A_29 : vector<256x256xf32> to vector<256x256xbf16>
    %convert_element_type3A_31 = arith.truncf %logistic3A_26 : vector<256x16xf32> to vector<256x16xbf16>
    %convert_element_type3A_32 = arith.extf %convert_element_type3A_31 : vector<256x16xbf16> to vector<256x16xf32>
    %sub3A_33 = arith.subf %logistic3A_26, %convert_element_type3A_32 : vector<256x16xf32>
    %convert_element_type3A_34 = arith.truncf %sub3A_33 : vector<256x16xf32> to vector<256x16xbf16>
    %dot_general3A_35 = arith.constant dense<0.000000e+00> : vector<256x16xf32>
    %dot_general3A_36 = tpu.matmul %convert_element_type3A_30, %convert_element_type3A_31, %dot_general3A_35 {dimension_numbers = #tpu.dot_dimension_numbers<[1], [0], [0], [1], [0, 0, 1, 1], [], []>, transpose_lhs_hint = false} : vector<256x256xbf16>, vector<256x16xbf16>, vector<256x16xf32> -> vector<256x16xf32>
    %dot_general3A_37 = arith.constant dense<0.000000e+00> : vector<256x16xf32>
    %dot_general3A_38 = tpu.matmul %convert_element_type3A_30, %convert_element_type3A_34, %dot_general3A_37 {dimension_numbers = #tpu.dot_dimension_numbers<[1], [0], [0], [1], [0, 0, 1, 1], [], []>, transpose_lhs_hint = false} : vector<256x256xbf16>, vector<256x16xbf16>, vector<256x16xf32> -> vector<256x16xf32>
    %add3A_39 = arith.addf %dot_general3A_36, %dot_general3A_38 : vector<256x16xf32>
    %get3A_40 = arith.constant 0 : index
    %get3A_41 = arith.constant 0 : index
    %get3A_42 = vector.load %arg7[%get3A_40, %get3A_41] : memref<8x128xf32, #tpu.memory_space<vmem>>, vector<1x16xf32>
    %add3A_43 = vector.broadcast %get3A_42 : vector<1x16xf32> to vector<256x16xf32>
    %add3A_44 = arith.addf %add3A_39, %add3A_43 : vector<256x16xf32>
    %slice3A = vector.extract_strided_slice %add3A_44 {offsets = [255, 0], sizes = [1, 16], strides = [1, 1]} : vector<256x16xf32> to vector<1x16xf32>
    %swap3A = arith.constant 0 : index
    %swap3A_45 = arith.constant 0 : index
    %swap3A_46 = vector.load %arg7[%swap3A, %swap3A_45] : memref<8x128xf32, #tpu.memory_space<vmem>>, vector<1x16xf32>
    tpu.vector_store %arg7[%swap3A, %swap3A_45], %slice3A {strides = array<i32>} : memref<8x128xf32, #tpu.memory_space<vmem>>, vector<1x16xf32>,
    %swap3A_47 = arith.constant 0 : index
    %swap3A_48 = arith.constant 0 : index
    %swap3A_49 = arith.constant 0 : index
    %swap3A_50 = vector.load %arg4[%swap3A_47, %swap3A_48, %swap3A_49] : memref<1x256x16xf32, #tpu.memory_space<vmem>>, vector<1x256x16xf32>
    %swap3A_51 = vector.shape_cast %swap3A_50 : vector<1x256x16xf32> to vector<256x16xf32>
    %swap3A_52 = vector.shape_cast %add3A_44 : vector<256x16xf32> to vector<1x256x16xf32>
    tpu.vector_store %arg4[%swap3A_47, %swap3A_48, %swap3A_49], %swap3A_52 {strides = array<i32>} : memref<1x256x16xf32, #tpu.memory_space<vmem>>, vector<1x256x16xf32>,
    %transpose3A = tpu.transpose %add3A_44, [1, 0] : vector<256x16xf32> -> vector<16x256xf32>
    %jit3A = arith.constant 0.000000e+00 : f32
    %jit3A_53 = arith.constant 4094.99902 : f32
    %max3A = vector.broadcast %jit3A : f32 to vector<16x256xf32>
    %max3A_54 = arith.maximumf %max3A, %transpose3A : vector<16x256xf32>
    %min3A = vector.broadcast %jit3A_53 : f32 to vector<16x256xf32>
    %min3A_55 = arith.minimumf %min3A, %max3A_54 : vector<16x256xf32>
    %floor3A = math.floor %min3A_55 : vector<16x256xf32>
    %convert_element_type3A_56 = arith.fptosi %floor3A : vector<16x256xf32> to vector<16x256xi32>
    %swap3A_57 = arith.constant 0 : index
    %swap3A_58 = arith.constant 0 : index
    %swap3A_59 = arith.constant 0 : index
    %swap3A_60 = vector.load %arg5[%swap3A_57, %swap3A_58, %swap3A_59] : memref<1x16x256xi32, #tpu.memory_space<vmem>>, vector<1x16x256xi32>
    %swap3A_61 = vector.shape_cast %swap3A_60 : vector<1x16x256xi32> to vector<16x256xi32>
    %swap3A_62 = vector.shape_cast %convert_element_type3A_56 : vector<16x256xi32> to vector<1x16x256xi32>
    tpu.vector_store %arg5[%swap3A_57, %swap3A_58, %swap3A_59], %swap3A_62 {strides = array<i32>} : memref<1x16x256xi32, #tpu.memory_space<vmem>>, vector<1x16x256xi32>,
    %sub3A_63 = arith.subf %min3A_55, %floor3A : vector<16x256xf32>
    %swap3A_64 = arith.constant 0 : index
    %swap3A_65 = arith.constant 0 : index
    %swap3A_66 = arith.constant 0 : index
    %swap3A_67 = vector.load %arg6[%swap3A_64, %swap3A_65, %swap3A_66] : memref<1x16x256xf32, #tpu.memory_space<vmem>>, vector<1x16x256xf32>
    %swap3A_68 = vector.shape_cast %swap3A_67 : vector<1x16x256xf32> to vector<16x256xf32>
    %swap3A_69 = vector.shape_cast %sub3A_63 : vector<16x256xf32> to vector<1x16x256xf32>
    tpu.vector_store %arg6[%swap3A_64, %swap3A_65, %swap3A_66], %swap3A_69 {strides = array<i32>} : memref<1x16x256xf32, #tpu.memory_space<vmem>>, vector<1x16x256xf32>,
    return
  }
  func.func @transform_0(%arg0: i32, %arg1: i32) -> (i32, i32, i32) {
    %c0_i32 = arith.constant 0 : i32
    %c0_i32_0 = arith.constant 0 : i32
    return %arg0, %arg1, %c0_i32 : i32, i32, i32
  }
  func.func @transform_1(%arg0: i32, %arg1: i32) -> (i32, i32) {
    %c0_i32 = arith.constant 0 : i32
    %c0_i32_0 = arith.constant 0 : i32
    %c0_i32_1 = arith.constant 0 : i32
    return %c0_i32, %c0_i32_0 : i32, i32
  }
  func.func @transform_2(%arg0: i32, %arg1: i32) -> (i32, i32, i32) {
    %c0_i32 = arith.constant 0 : i32
    %c0_i32_0 = arith.constant 0 : i32
    return %arg0, %arg1, %c0_i32 : i32, i32, i32
  }
  func.func @transform_3(%arg0: i32, %arg1: i32) -> (i32, i32, i32) {
    %c0_i32 = arith.constant 0 : i32
    %c0_i32_0 = arith.constant 0 : i32
    return %arg0, %c0_i32, %arg1 : i32, i32, i32
  }
  func.func @transform_4(%arg0: i32, %arg1: i32) -> (i32, i32, i32) {
    %c0_i32 = arith.constant 0 : i32
    %c0_i32_0 = arith.constant 0 : i32
    return %arg0, %c0_i32, %arg1 : i32, i32, i32
  }
}

module attributes {stable_mosaic.version = 14 : i64} {
  func.func @_add_body(%arg0: i32, %arg1: i32, %arg2: memref<1x16x256x64xf32, #tpu.memory_space<vmem>>, %arg3: memref<1x16x256x64xf32, #tpu.memory_space<vmem>>, %arg4: memref<1x16x256x128xf32, #tpu.memory_space<vmem>>, %arg5: memref<1x16x256xf32, #tpu.memory_space<vmem>>, %arg6: memref<1x16x256x64xf32, #tpu.memory_space<vmem>>, %arg7: memref<1x16x256x64xf32, #tpu.memory_space<vmem>>) attributes {dimension_semantics = [#tpu.dimension_semantics<parallel>, #tpu.dimension_semantics<arbitrary>], iteration_bounds = array<i64: 2, 16>, scalar_prefetch = 0 : i64, scratch_operands = 0 : i64, tpu.core_type = #tpu.core_type<tc>, window_params = [{transform_indices = @transform_0, window_bounds = array<i64: 1, 16, 256, 64>}, {transform_indices = @transform_1, window_bounds = array<i64: 1, 16, 256, 64>}, {transform_indices = @transform_2, window_bounds = array<i64: 1, 16, 256, 128>}, {transform_indices = @transform_3, window_bounds = array<i64: 1, 16, 256>}, {transform_indices = @transform_4, window_bounds = array<i64: 1, 16, 256, 64>}, {transform_indices = @transform_5, window_bounds = array<i64: 1, 16, 256, 64>}]} {
    %get3A = arith.constant 0 : index
    %get3A_0 = arith.constant 0 : index
    %get3A_1 = arith.constant 0 : index
    %get3A_2 = arith.constant 0 : index
    %get3A_3 = vector.load %arg4[%get3A, %get3A_0, %get3A_1, %get3A_2] : memref<1x16x256x128xf32, #tpu.memory_space<vmem>>, vector<1x16x256x128xf32>
    %get3A_4 = vector.shape_cast %get3A_3 : vector<1x16x256x128xf32> to vector<16x256x128xf32>
    %slice3A = vector.extract_strided_slice %get3A_4 {offsets = [0, 0, 0], sizes = [16, 256, 64], strides = [1, 1, 1]} : vector<16x256x128xf32> to vector<16x256x64xf32>
    %get3A_5 = arith.constant 0 : index
    %get3A_6 = arith.constant 0 : index
    %get3A_7 = arith.constant 0 : index
    %get3A_8 = arith.constant 0 : index
    %get3A_9 = vector.load %arg4[%get3A_5, %get3A_6, %get3A_7, %get3A_8] : memref<1x16x256x128xf32, #tpu.memory_space<vmem>>, vector<1x16x256x128xf32>
    %get3A_10 = vector.shape_cast %get3A_9 : vector<1x16x256x128xf32> to vector<16x256x128xf32>
    %slice3A_11 = vector.extract_strided_slice %get3A_10 {offsets = [0, 0, 64], sizes = [16, 256, 64], strides = [1, 1, 1]} : vector<16x256x128xf32> to vector<16x256x64xf32>
    %get3A_12 = arith.constant 0 : index
    %get3A_13 = arith.constant 0 : index
    %get3A_14 = arith.constant 0 : index
    %get3A_15 = vector.load %arg5[%get3A_12, %get3A_13, %get3A_14] : memref<1x16x256xf32, #tpu.memory_space<vmem>>, vector<1x16x256xf32>
    %get3A_16 = vector.shape_cast %get3A_15 : vector<1x16x256xf32> to vector<16x256xf32>
    %broadcast_in_dim3A = vector.shape_cast %get3A_16 : vector<16x256xf32> to vector<16x256x1xf32>
    %broadcast_in_dim3A_17 = vector.shape_cast %broadcast_in_dim3A : vector<16x256x1xf32> to vector<16x256x1xf32>
    %broadcast_in_dim3A_18 = vector.broadcast %broadcast_in_dim3A_17 : vector<16x256x1xf32> to vector<16x256x64xf32>
    %sub3A = arith.subf %slice3A_11, %slice3A : vector<16x256x64xf32>
    %mul3A = arith.mulf %broadcast_in_dim3A_18, %sub3A : vector<16x256x64xf32>
    %add3A = arith.addf %slice3A, %mul3A : vector<16x256x64xf32>
    %get3A_19 = arith.constant 0 : index
    %get3A_20 = arith.constant 0 : index
    %get3A_21 = arith.constant 0 : index
    %get3A_22 = arith.constant 0 : index
    %get3A_23 = vector.load %arg2[%get3A_19, %get3A_20, %get3A_21, %get3A_22] : memref<1x16x256x64xf32, #tpu.memory_space<vmem>>, vector<1x16x256x64xf32>
    %get3A_24 = vector.shape_cast %get3A_23 : vector<1x16x256x64xf32> to vector<16x256x64xf32>
    %add3A_25 = arith.addf %get3A_24, %add3A : vector<16x256x64xf32>
    %swap3A = arith.constant 0 : index
    %swap3A_26 = arith.constant 0 : index
    %swap3A_27 = arith.constant 0 : index
    %swap3A_28 = arith.constant 0 : index
    %swap3A_29 = vector.load %arg6[%swap3A, %swap3A_26, %swap3A_27, %swap3A_28] : memref<1x16x256x64xf32, #tpu.memory_space<vmem>>, vector<1x16x256x64xf32>
    %swap3A_30 = vector.shape_cast %swap3A_29 : vector<1x16x256x64xf32> to vector<16x256x64xf32>
    %swap3A_31 = vector.shape_cast %add3A_25 : vector<16x256x64xf32> to vector<1x16x256x64xf32>
    tpu.vector_store %arg6[%swap3A, %swap3A_26, %swap3A_27, %swap3A_28], %swap3A_31 {strides = array<i32>} : memref<1x16x256x64xf32, #tpu.memory_space<vmem>>, vector<1x16x256x64xf32>,
    %get3A_32 = arith.constant 0 : index
    %get3A_33 = arith.constant 0 : index
    %get3A_34 = arith.constant 0 : index
    %get3A_35 = arith.constant 0 : index
    %get3A_36 = vector.load %arg3[%get3A_32, %get3A_33, %get3A_34, %get3A_35] : memref<1x16x256x64xf32, #tpu.memory_space<vmem>>, vector<1x16x256x64xf32>
    %get3A_37 = vector.shape_cast %get3A_36 : vector<1x16x256x64xf32> to vector<16x256x64xf32>
    %add3A_38 = arith.addf %get3A_37, %add3A : vector<16x256x64xf32>
    %swap3A_39 = arith.constant 0 : index
    %swap3A_40 = arith.constant 0 : index
    %swap3A_41 = arith.constant 0 : index
    %swap3A_42 = arith.constant 0 : index
    %swap3A_43 = vector.load %arg7[%swap3A_39, %swap3A_40, %swap3A_41, %swap3A_42] : memref<1x16x256x64xf32, #tpu.memory_space<vmem>>, vector<1x16x256x64xf32>
    %swap3A_44 = vector.shape_cast %swap3A_43 : vector<1x16x256x64xf32> to vector<16x256x64xf32>
    %swap3A_45 = vector.shape_cast %add3A_38 : vector<16x256x64xf32> to vector<1x16x256x64xf32>
    tpu.vector_store %arg7[%swap3A_39, %swap3A_40, %swap3A_41, %swap3A_42], %swap3A_45 {strides = array<i32>} : memref<1x16x256x64xf32, #tpu.memory_space<vmem>>, vector<1x16x256x64xf32>,
    return
  }
  func.func @transform_0(%arg0: i32, %arg1: i32) -> (i32, i32, i32, i32) {
    %c0_i32 = arith.constant 0 : i32
    %c0_i32_0 = arith.constant 0 : i32
    %c0_i32_1 = arith.constant 0 : i32
    return %arg0, %c0_i32, %arg1, %c0_i32_0 : i32, i32, i32, i32
  }
  func.func @transform_1(%arg0: i32, %arg1: i32) -> (i32, i32, i32, i32) {
    %c0_i32 = arith.constant 0 : i32
    %c0_i32_0 = arith.constant 0 : i32
    %c0_i32_1 = arith.constant 0 : i32
    return %arg0, %c0_i32, %arg1, %c0_i32_0 : i32, i32, i32, i32
  }
  func.func @transform_2(%arg0: i32, %arg1: i32) -> (i32, i32, i32, i32) {
    %c0_i32 = arith.constant 0 : i32
    %c0_i32_0 = arith.constant 0 : i32
    %c0_i32_1 = arith.constant 0 : i32
    return %arg0, %c0_i32, %arg1, %c0_i32_0 : i32, i32, i32, i32
  }
  func.func @transform_3(%arg0: i32, %arg1: i32) -> (i32, i32, i32) {
    %c0_i32 = arith.constant 0 : i32
    %c0_i32_0 = arith.constant 0 : i32
    return %arg0, %c0_i32, %arg1 : i32, i32, i32
  }
  func.func @transform_4(%arg0: i32, %arg1: i32) -> (i32, i32, i32, i32) {
    %c0_i32 = arith.constant 0 : i32
    %c0_i32_0 = arith.constant 0 : i32
    %c0_i32_1 = arith.constant 0 : i32
    return %arg0, %c0_i32, %arg1, %c0_i32_0 : i32, i32, i32, i32
  }
  func.func @transform_5(%arg0: i32, %arg1: i32) -> (i32, i32, i32, i32) {
    %c0_i32 = arith.constant 0 : i32
    %c0_i32_0 = arith.constant 0 : i32
    %c0_i32_1 = arith.constant 0 : i32
    return %arg0, %c0_i32, %arg1, %c0_i32_0 : i32, i32, i32, i32
  }
}

</mosaic_0001>

<sc_bundles>
// kernel: kernel.5.cloned.1.call-start
scs
__scs_entry_jumppad:
0x0: {  	(pc) =	sbr.rel $0x88, $3  }
0x1: {  	(tag) =	ssettag $0x0;
	lr =	simm.s32 $0x1  }
0x2: {  	[smem:$0x3F9C] =	sst lr;
	_ =	strace $0xD0000000  }
0x3: {  	_ = 	snop  }
0x4: {  	_ = 	snop  }
0x5: {  	_ = 	snop  }
0x6: {  	_ = 	snop  }
0x7: {  	_ = 	snop  }
__scs_overlays_trampoline_lowered:
0x8: {  	[smem:$0x3FAB] =	sst s0  }
0x9: {  	[smem:$0x3FAC] =	sst s1  }
0xa: {  	[smem:$0x3FAD] =	sst s2  }
0xb: {  	[smem:$0x3FAE] =	sst s3  }
0xc: {  	[smem:$0x3FAF] =	sst s4  }
0xd: {  	[smem:$0x3FB0] =	sst s5  }
0xe: {  	[smem:$0x3FB1] =	sst s6  }
0xf: {  	[smem:$0x3FB2] =	sst s7  }
0x10: {  	[smem:$0x3FB3] =	sst s8  }
0x11: {  	[smem:$0x3FB4] =	sst s9;
	s0 =	simm.s32 @!p0 $0x0  }
0x12: {  	s1 =	sld [smem:$0x3F9A];
	s0 =	simm.s32 @p0 $0x1  }
0x13: {  	[smem:$0x3FB5] =	sst s0;
	s0 =	simm.s32 @!p1 $0x0  }
0x14: {  	s2 =	sld [smem:$0x3F99];
	s0 =	simm.s32 @p1 $0x1  }
0x15: {  	[smem:$0x3FB6] =	sst s0;
	s0 =	simm.s32 @!p2 $0x0  }
0x16: {  	s3 =	sld [smem:$0x3FDB];
	s0 =	simm.s32 @p2 $0x1  }
0x17: {  	s4 =	simm.s32 $0x1BF5;
	[smem:$0x3FB8] =	sst s0  }
0x18: {  	s0 =	sld [smem:$0x3F9B];
	_ =	swait.ge [sflag:s4], $0x0  }
0x19: {  	s7 =	sld [smem:$0x3F9C]  }
0x1a: {  	s8 =	sadd.s32 $0xFFFFE003, lr  }
0x1b: {  	s9 =	sadd.s32 $0xFFFFFEF7, lr;
	s5 =	simm.s32 $0xFFFFFFFF;
	p2 =	slt.u32 s8, $0xFFFFF086  }
0x1c: {  	p1 =	slt.u32 s9, $0xF7A;
	s5 =	simm.s32 @!p2 $0x0  }
0x1d: {  	s5 =	simm.s32 @p1 $0x1;
	p0 =	seq.s32 s7, s2  }
0x1e: {  	s7 =	smul.u32 @!p0 $0xF7A, s2;
	p2 =	seq.s32 @!p0 s5, $0x0  }
0x1f: {  	s9 =	smul.u32 $0xF7A, s1;
	s8 =	simm.s32 @!p0 $0x1BF5;
	p2 =	por !p2, p0  }
0x20: {  	[sflag:s8] =	ssyncset.s32 @!p0 $0xFFFFF086;
	s6 =	sadd.s32 @!p0 s3, s7;
	s7 =	simm.s32 @!p0 $0x108  }
0x21: {  	s3 =	sadd.s32 s3, s9;
	s6 =	sadd.s32 @!p0 $0x88, s6;
	s7 =	simm.s32 @p2 $0x1082  }
0x22: {  	[simem:s7], [sflag:s8] =	dma.local @!p0 [hbm:s6], $0xF7A  }
0x23: {  	s9 =	sor.u32 $0xD0000000, s2;
	s6 =	simm.s32 $0x108;
	_ =	swait.ge @!p0 [sflag:s8], $0x0  }
0x24: {  	s3 =	sadd.s32 $0x88, s3;
	s6 =	simm.s32 @!p1 $0x1082;
	[sflag:s4] =	ssyncset.s32 $0xFFFFF086  }
0x25: {  	[simem:s6], [sflag:s4] =	dma.local [hbm:s3], $0xF7A  }
0x26: {  	[smem:$0x3F9C] =	sst s1;
	(tag) =	ssettag s2;
	_ =	strace s9  }
0x27: {  	s1 =	sld [smem:$0x3FAC]  }
0x28: {  	s2 =	sld [smem:$0x3FAD]  }
0x29: {  	s4 =	sld [smem:$0x3FAF]  }
0x2a: {  	p0 =	seq.s32 s5, $0x0;
	s5 =	sld [smem:$0x3FB0]  }
0x2b: {  	s6 =	sld [smem:$0x3FB1]  }
0x2c: {  	s7 =	sld [smem:$0x3FB2]  }
0x2d: {  	s3 =	simm.s32 $0x108;
	s8 =	sld [smem:$0x3FB3]  }
0x2e: {  	s3 =	simm.s32 @!p0 $0x1082;
	s9 =	sld [smem:$0x3FB4]  }
0x2f: {  	lr =	sadd.s32 s0, s3;
	s0 =	sld [smem:$0x3FAB]  }
0x30: {  	s3 =	sld [smem:$0x3FAE]  }
0x31: {  	[smem:$0x3FB7] =	sst s10  }
0x32: {  	s10 =	sld [smem:$0x3FB5];
	_ =	sdelay $0x3  }
0x33: {  	p0 =	seq.s32 s10, $0x1;
	s10 =	sld [smem:$0x3FB7];
	_ =	sdelay $0x3  }
0x34: {  	[smem:$0x3FB7] =	sst s10  }
0x35: {  	s10 =	sld [smem:$0x3FB6];
	_ =	sdelay $0x3  }
0x36: {  	p1 =	seq.s32 s10, $0x1;
	s10 =	sld [smem:$0x3FB7];
	_ =	sdelay $0x3  }
0x37: {  	[smem:$0x3FB7] =	sst s10  }
0x38: {  	s10 =	sld [smem:$0x3FB8]  }
0x39: {  	_ = 	snop;
	(pc) =	sbr.ind lr, $3  }
0x3a: {  	_ = 	snop  }
0x3b: {  	_ = 	snop  }
0x3c: {  	p2 =	seq.s32 s10, $0x1;
	s10 =	sld [smem:$0x3FB7]  }
0x3d: {  	_ =	shalt  }
0x3e: {  	_ =	shalt  }
0x3f: {  	_ =	shalt  }
0x40: {  	_ =	shalt  }
0x41: {  	_ =	shalt  }
0x42: {  	_ =	shalt  }
0x43: {  	_ =	shalt  }
0x44: {  	_ =	shalt  }
0x45: {  	_ =	shalt  }
0x46: {  	_ =	shalt  }
0x47: {  	_ =	shalt  }
0x48: {  	_ =	shalt  }
0x49: {  	_ =	shalt  }
0x4a: {  	_ =	shalt  }
0x4b: {  	_ =	shalt  }
0x4c: {  	_ =	shalt  }
0x4d: {  	_ =	shalt  }
0x4e: {  	_ =	shalt  }
0x4f: {  	_ =	shalt  }
0x50: {  	_ =	shalt  }
0x51: {  	_ =	shalt  }
0x52: {  	_ =	shalt  }
0x53: {  	_ =	shalt  }
0x54: {  	_ =	shalt  }
0x55: {  	_ =	shalt  }
0x56: {  	_ =	shalt  }
0x57: {  	_ =	shalt  }
0x58: {  	_ =	shalt  }
0x59: {  	_ =	shalt  }
0x5a: {  	_ =	shalt  }
0x5b: {  	_ =	shalt  }
0x5c: {  	_ =	shalt  }
0x5d: {  	_ =	shalt  }
0x5e: {  	_ =	shalt  }
0x5f: {  	_ =	shalt  }
0x60: {  	_ =	shalt  }
0x61: {  	_ =	shalt  }
0x62: {  	_ =	shalt  }
0x63: {  	_ =	shalt  }
0x64: {  	_ =	shalt  }
0x65: {  	_ =	shalt  }
0x66: {  	_ =	shalt  }
0x67: {  	_ =	shalt  }
0x68: {  	_ =	shalt  }
0x69: {  	_ =	shalt  }
0x6a: {  	_ =	shalt  }
0x6b: {  	_ =	shalt  }
0x6c: {  	_ =	shalt  }
0x6d: {  	_ =	shalt  }
0x6e: {  	_ =	shalt  }
0x6f: {  	_ =	shalt  }
0x70: {  	_ =	shalt  }
0x71: {  	_ =	shalt  }
0x72: {  	_ =	shalt  }
0x73: {  	_ =	shalt  }
0x74: {  	_ =	shalt  }
0x75: {  	_ =	shalt  }
0x76: {  	_ =	shalt  }
0x77: {  	_ =	shalt  }
0x78: {  	_ =	shalt  }
0x79: {  	_ =	shalt  }
0x7a: {  	_ =	shalt  }
0x7b: {  	_ =	shalt  }
0x7c: {  	_ =	shalt  }
0x7d: {  	_ =	shalt  }
0x7e: {  	_ =	shalt  }
0x7f: {  	_ =	shalt  }
0x80: {  	_ =	shalt  }
0x81: {  	_ =	shalt  }
0x82: {  	_ =	shalt  }
0x83: {  	_ =	shalt  }
0x84: {  	_ =	shalt  }
0x85: {  	_ =	shalt  }
0x86: {  	_ =	shalt  }
0x87: {  	_ =	shalt  }
.Lfunc_end0:
.L_simem_size_0:
called_computation_lowered:
.L_overlay_start_0:
0x88: {  	s2 =	sld [smem:$0x3FD9]  }
0x89: {  	s3 =	sld [smem:$0x3FFE];
	_ =	sdelay $0x1  }
0x8a: {  	s1 =	srdreg.scid  }
0x8b: {  	s0 =	sand.u32 $0x1, s1  }
0x8c: {  	s14 =	sshll.u32 s0, $0xA;
	s2 =	sadd.s32 s3, s2  }
0x8d: {  	s2 =	sadd.s32 s2, s14  }
0x8e: {  	[smem:$0x3FC3] =	sst s2  }
0x8f: {  	_ = 	snop  }
0x90: {  	s2 =	sld [smem:$0x3FD0];
	_ =	sdelay $0x2  }
0x91: {  	s15 =	simm.s32 $0xA;
	s4 =	simm.s32 $0x10  }
0x92: {  	[smem:s4], [sflag:s15] =	dma.local [hbm:s2], $0x1  }
0x93: {  	_ =	swait.eq [sflag:s15], $0x1  }
0x94: {  	[sflag:s15] =	ssyncset.done $0x0  }
0x95: {  	s16 =	sld [smem:$0x10];
	[sflag:s15] =	ssyncadd.s32 $0xFFFFFFFF  }
0x96: {  	s17 =	sld [smem:$0x11];
	(tm) =	ssettm $0x1  }
0x97: {  	s18 =	sld [smem:$0x3FFB];
	_ =	sdelay $0x3  }
0x98: {  	_ =	strace s18  }
0x99: {  	s4 =	sld [smem:$0x3FFC];
	_ =	sdelay $0x3  }
0x9a: {  	_ =	strace s4  }
0x9b: {  	s4 =	sld [smem:$0x3FFD];
	_ =	sdelay $0x3  }
0x9c: {  	_ =	strace s4  }
0x9d: {  	_ =	strace $0x8FFFFFFF  }
0x9e: {  	s19 =	sld [smem:$0x3FDB];
	_ =	sdelay $0x1  }
0x9f: {  	s5 =	simm.s32 $_scs_section_size  }
0xa0: {  	s6 =	simm.s32 $_size__tile_overlayer_lowered;
	s7 =	simm.s32 $_tile_overlayer_lowered  }
0xa1: {  	s22 =	simm.s32 $0x1BFF;
	s21 =	sshll.u32 s7, $0x1;
	s4 =	sadd.s32 s5, s19  }
0xa2: {  	s8 =	simm.s32 $0x0;
	s20 =	sshll.u32 s6, $0x1;
	s6 =	sadd.s32 s21, s4  }
0xa3: {  	[timem:s8], [sflag:s22] =	dma.local [hbm:s6], s20  }
0xa4: {  	_ =	swait.ge [sflag:s22], s20  }
0xa5: {  	s5 =	ssub.s32 $0x0, s20;
	[sflag:s22] =	ssyncset.done $0x0  }
0xa6: {  	[sflag:s22] =	ssyncadd.s32 s5;
	_ =	sdelay $0x1  }
0xa7: {  	s23 =	simm.s32 $0x1B8B  }
0xa8: {  	_ =	swait.ge [sflag:s23], $0x1  }
0xa9: {  	[sflag:s23] =	ssyncset.done $0x0  }
0xaa: {  	s25 =	simm.s32 $0x1B8E;
	s24 =	sld [smem:$0x3FFE];
	[sflag:s23] =	ssyncadd.s32 $0xFFFFFFFF  }
0xab: {  	s26 =	simm.s32 $execute0_lowered;
	[smem:$0x3FD2] =	sst s25  }
0xac: {  	s6 =	sshll.u32 s26, $0x1;
	_ =	strace $0x80000046;
	[dreg:$0x1] =	wrdreg $0xFFFFFFFF  }
0xad: {  	s28 =	simm.s32 $_size_execute0_lowered;
	s4 =	sadd.s32 s4, s6;
	[dreg:$0x0] =	wrdreg $0x0  }
0xae: {  	s6 =	sshll.u32 s28, $0x1;
	[dreg:$0x2] =	wrdreg s4  }
0xaf: {  	[dreg:$0x3] =	wrdreg s6  }
0xb0: {  	[dreg:$0x4] =	wrdreg $0xC0  }
0xb1: {  	_ =	task [dreg:s8], $0x5FFFF  }
0xb2: {  	[dreg:$0x1] =	wrdreg $0xFFFFFFFF  }
0xb3: {  	[dreg:$0x0] =	wrdreg $0x60  }
0xb4: {  	[dreg:$0x2] =	wrdreg s17  }
0xb5: {  	[dreg:$0x3] =	wrdreg s16  }
0xb6: {  	[dreg:$0x4] =	wrdreg s24  }
0xb7: {  	[dreg:$0x5] =	wrdreg $0x9  }
0xb8: {  	_ =	task.clear_ibuf [dreg:s8], $0x6FFFF;
	_ =	strace $0x90000046  }
0xb9: {  	s29 =	simm.s32 $0x9;
	_ =	strace $0x80000048  }
0xba: {  	_ =	swait.ge [sflag:s29], $0x1  }
0xbb: {  	[sflag:s29] =	ssyncadd.s32 $0xFFFFFFFF  }
0xbc: {  	_ =	strace $0x90000048  }
0xbd: {  	_ =	sfence  }
0xbe: {  	s30 =	sld [smem:$0x0];
	_ =	sdelay $0x2  }
0xbf: {  	s31 =	sshll.u32 s1, $0xD;
	s1 =	sshrl.u32 s1, $0x2  }
0xc0: {  	s3 =	sand.u32 $0x4000, s31;
	s1 =	sadd.s32 s1, s30  }
0xc1: {  	s0 =	sor.u32 s3, s0;
	s1 =	sshll.u32 s1, $0x11  }
0xc2: {  	s0 =	sor.u32 s1, s0  }
0xc3: {  	s0 =	sadd.s32 $0x8F2B, s0  }
0xc4: {  	[sflag:s0] =	ssyncadd.remote.s32 $0x1  }
0xc5: {  	_ =	sfence.sel $0xFFFF  }
0xc6: {  	[dreg:$0x0] =	wrdreg $0xFFFFFFFF;
	(pc) =	sbr.abs _section_cstart, $3  }
0xc7: {  	[dreg:$0x1] =	wrdreg $0xFFFFFFFF  }
0xc8: {  	_ =	task.clear_ibuf [dreg:s8], $0x2FFFF;
	_ =	strace $0x9FFFFFFF  }
0xc9: {  	(tm) =	ssettm $0x7FFFFFFF  }
tec
execute0_lowered:
.L_overlay_start_1:
0x0: {  	(tag) =	ssettag $0x1  }
0x1: {  	s1 =	rddreg [dreg:$0x0]  }
0x2: {  	s4 =	rddreg [dreg:$0x1]  }
0x3: {  	s5 =	rddreg [dreg:$0x2]  }
0x4: {  	s0 =	rddreg [dreg:$0x3]  }
0x5: {  	s3 =	simm.s32 $0x0;
	s6 =	srdreg.scid;
	s2 =	stileid.u32  }
0x6: {  	s10 =	simm.s32 $0x3000;
	s11 =	simm.s32 $0x5000;
	s12 =	simm.s32 $0x7000  }
0x7: {  	s13 =	simm.s32 $0x9000;
	s14 =	simm.s32 $0xB000;
	s15 =	simm.s32 $0xD000  }
0x8: {  	s16 =	simm.s32 $0xF000;
	s17 =	simm.s32 $0x1;
	s18 =	simm.s32 $0x2  }
0x9: {  	s19 =	simm.s32 $0x0;
	[smem:$0x7FF] =	sst s3;
	s6 =	sand.u32 $0x1, s6  }
0xa: {  	s7 =	sshll.u32 s2, $0x11;
	s8 =	sshll.u32 s2, $0xD;
	_ =	strace $0x80000047  }
0xb: {  	s9 =	sshll.u32 s6, $0xC;
	s5 =	sadd.s32 s7, s5;
	s30 =	ssub.s32 $0x2, s6  }
0xc: {  	s6 =	sshll.u32 s6, $0x10;
	s8 =	sor.u32 s9, s8;
	s31 =	sshrl.u32 s30, $0x1  }
0xd: {  	s6 =	sadd.s32 s6, s5;
	s9 =	simm.s32 $0x1000;
	s8 =	sshrl.u32 s8, $0x3  }
0xe: {  	s7 =	ssub.s32 s30, s31;
	s6 =	sadd.s32 $0xA00, s6;
	s4 =	sadd.s32 s4, s8  }
0xf: {  	s5 =	smax.u32 s7, $0x1;
	s7 =	simm.s32 $0x3;
	s8 =	simm.s32 $0x40  }
.LBB2_1:
0x10: {  	[tilespmem:s3], [sflag:$0x3] =	stream.linear.gather [hbm4b:s4+s3], $0x1000, $0x38;
	[tilespmem:$0x11000] =	vst v63  }
0x11: {  	_ =	swait.ge [sflag:s7], $0x1000  }
0x12: {  	[sflag:s7] =	ssyncset.done $0x0  }
0x13: {  	s20 =	simm.s32 $0x0;
	[sflag:s7] =	ssyncadd.s32 $0xFFFFF000  }
0x14: {  	[tilespmem:s9], [sflag:$0x1] =	stream.indirect.gather [hbm4b:s1+s8], $0x80, s20, s8, $0xb8;
	[tilespmem:$0x11000] =	vst v63  }
0x15: {  	s29 =	simm.s32 $0x40  }
0x16: {  	[tilespmem:s10], [sflag:$0x1] =	stream.indirect.gather [hbm4b:s1+s8], $0x80, s29, s8, $0xb8;
	[tilespmem:$0x11000] =	vst v63  }
0x17: {  	s30 =	simm.s32 $0x80  }
0x18: {  	[tilespmem:s11], [sflag:$0x1] =	stream.indirect.gather [hbm4b:s1+s8], $0x80, s30, s8, $0xb8;
	[tilespmem:$0x11000] =	vst v63  }
0x19: {  	s31 =	simm.s32 $0xC0  }
0x1a: {  	[tilespmem:s12], [sflag:$0x1] =	stream.indirect.gather [hbm4b:s1+s8], $0x80, s31, s8, $0xb8;
	[tilespmem:$0x11000] =	vst v63  }
0x1b: {  	s21 =	simm.s32 $0x100  }
0x1c: {  	[tilespmem:s13], [sflag:$0x1] =	stream.indirect.gather [hbm4b:s1+s8], $0x80, s21, s8, $0xb8;
	[tilespmem:$0x11000] =	vst v63  }
0x1d: {  	s22 =	simm.s32 $0x140  }
0x1e: {  	[tilespmem:s14], [sflag:$0x1] =	stream.indirect.gather [hbm4b:s1+s8], $0x80, s22, s8, $0xb8;
	[tilespmem:$0x11000] =	vst v63  }
0x1f: {  	s23 =	simm.s32 $0x180  }
0x20: {  	[tilespmem:s15], [sflag:$0x1] =	stream.indirect.gather [hbm4b:s1+s8], $0x80, s23, s8, $0xb8;
	[tilespmem:$0x11000] =	vst v63  }
0x21: {  	s24 =	simm.s32 $0x1C0  }
0x22: {  	[tilespmem:s16], [sflag:$0x1] =	stream.indirect.gather [hbm4b:s1+s8], $0x80, s24, s8, $0xb8;
	[tilespmem:$0x11000] =	vst v63  }
0x23: {  	_ =	swait.ge [sflag:s17], $0x2000  }
0x24: {  	[sflag:s17] =	ssyncset.done $0x0  }
0x25: {  	[sflag:s17] =	ssyncadd.s32 $0xFFFFE000  }
0x26: {  	_ =	swait.ge [sflag:s17], $0x2000  }
0x27: {  	[sflag:s17] =	ssyncset.done $0x0  }
0x28: {  	[sflag:s17] =	ssyncadd.s32 $0xFFFFE000  }
0x29: {  	_ =	swait.ge [sflag:s17], $0x2000  }
0x2a: {  	[sflag:s17] =	ssyncset.done $0x0  }
0x2b: {  	[sflag:s17] =	ssyncadd.s32 $0xFFFFE000  }
0x2c: {  	_ =	swait.ge [sflag:s17], $0x2000  }
0x2d: {  	[sflag:s17] =	ssyncset.done $0x0  }
0x2e: {  	[sflag:s17] =	ssyncadd.s32 $0xFFFFE000  }
0x2f: {  	_ =	swait.ge [sflag:s17], $0x2000  }
0x30: {  	[sflag:s17] =	ssyncset.done $0x0  }
0x31: {  	[sflag:s17] =	ssyncadd.s32 $0xFFFFE000  }
0x32: {  	_ =	swait.ge [sflag:s17], $0x2000  }
0x33: {  	[sflag:s17] =	ssyncset.done $0x0  }
0x34: {  	[sflag:s17] =	ssyncadd.s32 $0xFFFFE000  }
0x35: {  	_ =	swait.ge [sflag:s17], $0x2000  }
0x36: {  	[sflag:s17] =	ssyncset.done $0x0  }
0x37: {  	[sflag:s17] =	ssyncadd.s32 $0xFFFFE000  }
0x38: {  	_ =	swait.ge [sflag:s17], $0x2000  }
0x39: {  	[sflag:s17] =	ssyncset.done $0x0  }
0x3a: {  	s25 =	sadd.s32 $0x0, s6;
	[sflag:s17] =	ssyncadd.s32 $0xFFFFE000  }
0x3b: {  	[hbm4b:s25+s3] =	stream.linear.scatter [tilespmem:s9], [sflag:$0x2], $0x2000, $0x38;
	[tilespmem:$0x11000] =	vst v63  }
0x3c: {  	s21 =	sadd.s32 $0x400, s25  }
0x3d: {  	[hbm4b:s21+s3] =	stream.linear.scatter [tilespmem:s10], [sflag:$0x2], $0x2000, $0x38;
	[tilespmem:$0x11000] =	vst v63  }
0x3e: {  	s26 =	sadd.s32 $0x800, s25  }
0x3f: {  	[hbm4b:s26+s3] =	stream.linear.scatter [tilespmem:s11], [sflag:$0x2], $0x2000, $0x38;
	[tilespmem:$0x11000] =	vst v63  }
0x40: {  	s28 =	sadd.s32 $0xC00, s25  }
0x41: {  	[hbm4b:s28+s3] =	stream.linear.scatter [tilespmem:s12], [sflag:$0x2], $0x2000, $0x38;
	[tilespmem:$0x11000] =	vst v63  }
0x42: {  	s29 =	sadd.s32 $0x1000, s25  }
0x43: {  	[hbm4b:s29+s3] =	stream.linear.scatter [tilespmem:s13], [sflag:$0x2], $0x2000, $0x38;
	[tilespmem:$0x11000] =	vst v63  }
0x44: {  	s30 =	sadd.s32 $0x1400, s25  }
0x45: {  	[hbm4b:s30+s3] =	stream.linear.scatter [tilespmem:s14], [sflag:$0x2], $0x2000, $0x38;
	[tilespmem:$0x11000] =	vst v63  }
0x46: {  	s31 =	sadd.s32 $0x1800, s25  }
0x47: {  	[hbm4b:s31+s3] =	stream.linear.scatter [tilespmem:s15], [sflag:$0x2], $0x2000, $0x38;
	[tilespmem:$0x11000] =	vst v63  }
0x48: {  	s20 =	sadd.s32 $0x1C00, s25  }
0x49: {  	[hbm4b:s20+s3] =	stream.linear.scatter [tilespmem:s16], [sflag:$0x2], $0x2000, $0x38;
	[tilespmem:$0x11000] =	vst v63  }
0x4a: {  	_ =	swait.ge [sflag:s18], $0x2000  }
0x4b: {  	[sflag:s18] =	ssyncset.done $0x0  }
0x4c: {  	[sflag:s18] =	ssyncadd.s32 $0xFFFFE000  }
0x4d: {  	_ =	swait.ge [sflag:s18], $0x2000  }
0x4e: {  	[sflag:s18] =	ssyncset.done $0x0  }
0x4f: {  	[sflag:s18] =	ssyncadd.s32 $0xFFFFE000  }
0x50: {  	_ =	swait.ge [sflag:s18], $0x2000  }
0x51: {  	[sflag:s18] =	ssyncset.done $0x0  }
0x52: {  	[sflag:s18] =	ssyncadd.s32 $0xFFFFE000  }
0x53: {  	_ =	swait.ge [sflag:s18], $0x2000  }
0x54: {  	[sflag:s18] =	ssyncset.done $0x0  }
0x55: {  	[sflag:s18] =	ssyncadd.s32 $0xFFFFE000  }
0x56: {  	_ =	swait.ge [sflag:s18], $0x2000  }
0x57: {  	[sflag:s18] =	ssyncset.done $0x0  }
0x58: {  	[sflag:s18] =	ssyncadd.s32 $0xFFFFE000  }
0x59: {  	_ =	swait.ge [sflag:s18], $0x2000  }
0x5a: {  	[sflag:s18] =	ssyncset.done $0x0  }
0x5b: {  	[sflag:s18] =	ssyncadd.s32 $0xFFFFE000  }
0x5c: {  	_ =	swait.ge [sflag:s18], $0x2000  }
0x5d: {  	[sflag:s18] =	ssyncset.done $0x0  }
0x5e: {  	[sflag:s18] =	ssyncadd.s32 $0xFFFFE000  }
0x5f: {  	s22 =	simm.s32 $0x4000;
	_ =	swait.ge [sflag:s18], $0x2000  }
0x60: {  	s21 =	simm.s32 $0x300;
	s20 =	simm.s32 $0x2000;
	[sflag:s18] =	ssyncset.done $0x0  }
.LBB2_2:
0x61: {  	p0 =	sne.s32 s22, $0xE000;
	s23 =	sadd.s32 $0xFFFFFF00, s21;
	[sflag:s18] =	ssyncadd.s32 $0xFFFFE000  }
0x62: {  	[tilespmem:s9], [sflag:$0x1] =	stream.indirect.gather [hbm4b:s1+s8], $0x80, s23, s8, $0xb8;
	[tilespmem:$0x11000] =	vst v63  }
0x63: {  	s24 =	sadd.s32 $0xFFFFFF40, s21;
	s23 =	smov.u32 s22;
	s22 =	sadd.s32 $0x2000, s22  }
0x64: {  	[tilespmem:s10], [sflag:$0x1] =	stream.indirect.gather [hbm4b:s1+s8], $0x80, s24, s8, $0xb8;
	[tilespmem:$0x11000] =	vst v63  }
0x65: {  	s24 =	sadd.s32 $0xFFFFFF80, s21  }
0x66: {  	[tilespmem:s11], [sflag:$0x1] =	stream.indirect.gather [hbm4b:s1+s8], $0x80, s24, s8, $0xb8;
	[tilespmem:$0x11000] =	vst v63  }
0x67: {  	s24 =	sadd.s32 $0xFFFFFFC0, s21  }
0x68: {  	[tilespmem:s12], [sflag:$0x1] =	stream.indirect.gather [hbm4b:s1+s8], $0x80, s24, s8, $0xb8;
	[tilespmem:$0x11000] =	vst v63  }
0x69: {  	_ = 	snop  }
0x6a: {  	[tilespmem:s13], [sflag:$0x1] =	stream.indirect.gather [hbm4b:s1+s8], $0x80, s21, s8, $0xb8;
	[tilespmem:$0x11000] =	vst v63  }
0x6b: {  	s24 =	sadd.s32 $0x40, s21  }
0x6c: {  	[tilespmem:s14], [sflag:$0x1] =	stream.indirect.gather [hbm4b:s1+s8], $0x80, s24, s8, $0xb8;
	[tilespmem:$0x11000] =	vst v63  }
0x6d: {  	s24 =	sadd.s32 $0x80, s21  }
0x6e: {  	[tilespmem:s15], [sflag:$0x1] =	stream.indirect.gather [hbm4b:s1+s8], $0x80, s24, s8, $0xb8;
	[tilespmem:$0x11000] =	vst v63  }
0x6f: {  	s24 =	sadd.s32 $0xC0, s21  }
0x70: {  	[tilespmem:s16], [sflag:$0x1] =	stream.indirect.gather [hbm4b:s1+s8], $0x80, s24, s8, $0xb8;
	[tilespmem:$0x11000] =	vst v63  }
0x71: {  	_ =	swait.ge [sflag:s17], $0x2000  }
0x72: {  	[sflag:s17] =	ssyncset.done $0x0  }
0x73: {  	[sflag:s17] =	ssyncadd.s32 $0xFFFFE000  }
0x74: {  	_ =	swait.ge [sflag:s17], $0x2000  }
0x75: {  	[sflag:s17] =	ssyncset.done $0x0  }
0x76: {  	[sflag:s17] =	ssyncadd.s32 $0xFFFFE000  }
0x77: {  	_ =	swait.ge [sflag:s17], $0x2000  }
0x78: {  	[sflag:s17] =	ssyncset.done $0x0  }
0x79: {  	[sflag:s17] =	ssyncadd.s32 $0xFFFFE000  }
0x7a: {  	_ =	swait.ge [sflag:s17], $0x2000  }
0x7b: {  	[sflag:s17] =	ssyncset.done $0x0  }
0x7c: {  	[sflag:s17] =	ssyncadd.s32 $0xFFFFE000  }
0x7d: {  	_ =	swait.ge [sflag:s17], $0x2000  }
0x7e: {  	[sflag:s17] =	ssyncset.done $0x0  }
0x7f: {  	[sflag:s17] =	ssyncadd.s32 $0xFFFFE000  }
0x80: {  	_ =	swait.ge [sflag:s17], $0x2000  }
0x81: {  	[sflag:s17] =	ssyncset.done $0x0  }
0x82: {  	[sflag:s17] =	ssyncadd.s32 $0xFFFFE000  }
0x83: {  	_ =	swait.ge [sflag:s17], $0x2000  }
0x84: {  	[sflag:s17] =	ssyncset.done $0x0  }
0x85: {  	[sflag:s17] =	ssyncadd.s32 $0xFFFFE000  }
0x86: {  	_ =	swait.ge [sflag:s17], $0x2000  }
0x87: {  	[sflag:s17] =	ssyncset.done $0x0  }
0x88: {  	s24 =	sadd.s32 s20, s6;
	s20 =	smov.u32 s23;
	[sflag:s17] =	ssyncadd.s32 $0xFFFFE000  }
0x89: {  	[hbm4b:s24+s3] =	stream.linear.scatter [tilespmem:s9], [sflag:$0x2], $0x2000, $0x38;
	[tilespmem:$0x11000] =	vst v63  }
0x8a: {  	s23 =	sadd.s32 $0x400, s24  }
0x8b: {  	[hbm4b:s23+s3] =	stream.linear.scatter [tilespmem:s10], [sflag:$0x2], $0x2000, $0x38;
	[tilespmem:$0x11000] =	vst v63  }
0x8c: {  	s23 =	sadd.s32 $0x800, s24  }
0x8d: {  	[hbm4b:s23+s3] =	stream.linear.scatter [tilespmem:s11], [sflag:$0x2], $0x2000, $0x38;
	[tilespmem:$0x11000] =	vst v63  }
0x8e: {  	s23 =	sadd.s32 $0xC00, s24  }
0x8f: {  	[hbm4b:s23+s3] =	stream.linear.scatter [tilespmem:s12], [sflag:$0x2], $0x2000, $0x38;
	[tilespmem:$0x11000] =	vst v63  }
0x90: {  	s23 =	sadd.s32 $0x1000, s24  }
0x91: {  	[hbm4b:s23+s3] =	stream.linear.scatter [tilespmem:s13], [sflag:$0x2], $0x2000, $0x38;
	[tilespmem:$0x11000] =	vst v63  }
0x92: {  	s23 =	sadd.s32 $0x1400, s24  }
0x93: {  	[hbm4b:s23+s3] =	stream.linear.scatter [tilespmem:s14], [sflag:$0x2], $0x2000, $0x38;
	[tilespmem:$0x11000] =	vst v63  }
0x94: {  	s23 =	sadd.s32 $0x1800, s24  }
0x95: {  	[hbm4b:s23+s3] =	stream.linear.scatter [tilespmem:s15], [sflag:$0x2], $0x2000, $0x38;
	[tilespmem:$0x11000] =	vst v63  }
0x96: {  	s23 =	sadd.s32 $0x1C00, s24  }
0x97: {  	[hbm4b:s23+s3] =	stream.linear.scatter [tilespmem:s16], [sflag:$0x2], $0x2000, $0x38;
	[tilespmem:$0x11000] =	vst v63  }
0x98: {  	_ =	swait.ge [sflag:s18], $0x2000  }
0x99: {  	[sflag:s18] =	ssyncset.done $0x0  }
0x9a: {  	[sflag:s18] =	ssyncadd.s32 $0xFFFFE000  }
0x9b: {  	_ =	swait.ge [sflag:s18], $0x2000  }
0x9c: {  	[sflag:s18] =	ssyncset.done $0x0  }
0x9d: {  	[sflag:s18] =	ssyncadd.s32 $0xFFFFE000  }
0x9e: {  	_ =	swait.ge [sflag:s18], $0x2000  }
0x9f: {  	[sflag:s18] =	ssyncset.done $0x0  }
0xa0: {  	[sflag:s18] =	ssyncadd.s32 $0xFFFFE000  }
0xa1: {  	_ =	swait.ge [sflag:s18], $0x2000  }
0xa2: {  	[sflag:s18] =	ssyncset.done $0x0  }
0xa3: {  	[sflag:s18] =	ssyncadd.s32 $0xFFFFE000  }
0xa4: {  	_ =	swait.ge [sflag:s18], $0x2000  }
0xa5: {  	[sflag:s18] =	ssyncset.done $0x0  }
0xa6: {  	[sflag:s18] =	ssyncadd.s32 $0xFFFFE000  }
0xa7: {  	_ =	swait.ge [sflag:s18], $0x2000  }
0xa8: {  	[sflag:s18] =	ssyncset.done $0x0  }
0xa9: {  	[sflag:s18] =	ssyncadd.s32 $0xFFFFE000  }
.Ltmp0:
0xaa: {  	_ =	swait.ge [sflag:s18], $0x2000;
	(pc) =	sbr.rel @p0 .LBB2_2-.Ltmp0, $4  }
0xab: {  	[sflag:s18] =	ssyncset.done $0x0  }
0xac: {  	[sflag:s18] =	ssyncadd.s32 $0xFFFFE000  }
0xad: {  	_ =	swait.ge [sflag:s18], $0x2000  }
0xae: {  	s21 =	sadd.s32 $0x200, s21;
	[sflag:s18] =	ssyncset.done $0x0  }
0xaf: {  	s22 =	sadd.s32 $0xFFFFFF00, s21;
	[sflag:s18] =	ssyncadd.s32 $0xFFFFE000  }
0xb0: {  	[tilespmem:s9], [sflag:$0x1] =	stream.indirect.gather [hbm4b:s1+s8], $0x80, s22, s8, $0xb8;
	[tilespmem:$0x11000] =	vst v63  }
0xb1: {  	s28 =	sadd.s32 $0xFFFFFF40, s21  }
0xb2: {  	[tilespmem:s10], [sflag:$0x1] =	stream.indirect.gather [hbm4b:s1+s8], $0x80, s28, s8, $0xb8;
	[tilespmem:$0x11000] =	vst v63  }
0xb3: {  	s29 =	sadd.s32 $0xFFFFFF80, s21  }
0xb4: {  	[tilespmem:s11], [sflag:$0x1] =	stream.indirect.gather [hbm4b:s1+s8], $0x80, s29, s8, $0xb8;
	[tilespmem:$0x11000] =	vst v63  }
0xb5: {  	s30 =	sadd.s32 $0xFFFFFFC0, s21  }
0xb6: {  	[tilespmem:s12], [sflag:$0x1] =	stream.indirect.gather [hbm4b:s1+s8], $0x80, s30, s8, $0xb8;
	[tilespmem:$0x11000] =	vst v63  }
0xb7: {  	_ = 	snop  }
0xb8: {  	[tilespmem:s13], [sflag:$0x1] =	stream.indirect.gather [hbm4b:s1+s8], $0x80, s21, s8, $0xb8;
	[tilespmem:$0x11000] =	vst v63  }
0xb9: {  	s31 =	sadd.s32 $0x40, s21  }
0xba: {  	[tilespmem:s14], [sflag:$0x1] =	stream.indirect.gather [hbm4b:s1+s8], $0x80, s31, s8, $0xb8;
	[tilespmem:$0x11000] =	vst v63  }
0xbb: {  	s23 =	sadd.s32 $0x80, s21  }
0xbc: {  	[tilespmem:s15], [sflag:$0x1] =	stream.indirect.gather [hbm4b:s1+s8], $0x80, s23, s8, $0xb8;
	[tilespmem:$0x11000] =	vst v63  }
0xbd: {  	s24 =	sadd.s32 $0xC0, s21  }
0xbe: {  	[tilespmem:s16], [sflag:$0x1] =	stream.indirect.gather [hbm4b:s1+s8], $0x80, s24, s8, $0xb8;
	[tilespmem:$0x11000] =	vst v63  }
0xbf: {  	_ =	swait.ge [sflag:s17], $0x2000  }
0xc0: {  	[sflag:s17] =	ssyncset.done $0x0  }
0xc1: {  	[sflag:s17] =	ssyncadd.s32 $0xFFFFE000  }
0xc2: {  	_ =	swait.ge [sflag:s17], $0x2000  }
0xc3: {  	[sflag:s17] =	ssyncset.done $0x0  }
0xc4: {  	[sflag:s17] =	ssyncadd.s32 $0xFFFFE000  }
0xc5: {  	_ =	swait.ge [sflag:s17], $0x2000  }
0xc6: {  	[sflag:s17] =	ssyncset.done $0x0  }
0xc7: {  	[sflag:s17] =	ssyncadd.s32 $0xFFFFE000  }
0xc8: {  	_ =	swait.ge [sflag:s17], $0x2000  }
0xc9: {  	[sflag:s17] =	ssyncset.done $0x0  }
0xca: {  	[sflag:s17] =	ssyncadd.s32 $0xFFFFE000  }
0xcb: {  	_ =	swait.ge [sflag:s17], $0x2000  }
0xcc: {  	[sflag:s17] =	ssyncset.done $0x0  }
0xcd: {  	[sflag:s17] =	ssyncadd.s32 $0xFFFFE000  }
0xce: {  	_ =	swait.ge [sflag:s17], $0x2000  }
0xcf: {  	[sflag:s17] =	ssyncset.done $0x0  }
0xd0: {  	[sflag:s17] =	ssyncadd.s32 $0xFFFFE000  }
0xd1: {  	_ =	swait.ge [sflag:s17], $0x2000  }
0xd2: {  	[sflag:s17] =	ssyncset.done $0x0  }
0xd3: {  	[sflag:s17] =	ssyncadd.s32 $0xFFFFE000  }
0xd4: {  	_ =	swait.ge [sflag:s17], $0x2000  }
0xd5: {  	[sflag:s17] =	ssyncset.done $0x0  }
0xd6: {  	s20 =	sadd.s32 s20, s6;
	[sflag:s17] =	ssyncadd.s32 $0xFFFFE000  }
0xd7: {  	[hbm4b:s20+s3] =	stream.linear.scatter [tilespmem:s9], [sflag:$0x2], $0x2000, $0x38;
	[tilespmem:$0x11000] =	vst v63  }
0xd8: {  	s25 =	sadd.s32 $0x400, s20  }
0xd9: {  	[hbm4b:s25+s3] =	stream.linear.scatter [tilespmem:s10], [sflag:$0x2], $0x2000, $0x38;
	[tilespmem:$0x11000] =	vst v63  }
0xda: {  	s26 =	sadd.s32 $0x800, s20  }
0xdb: {  	[hbm4b:s26+s3] =	stream.linear.scatter [tilespmem:s11], [sflag:$0x2], $0x2000, $0x38;
	[tilespmem:$0x11000] =	vst v63  }
0xdc: {  	s28 =	sadd.s32 $0xC00, s20  }
0xdd: {  	[hbm4b:s28+s3] =	stream.linear.scatter [tilespmem:s12], [sflag:$0x2], $0x2000, $0x38;
	[tilespmem:$0x11000] =	vst v63  }
0xde: {  	s29 =	sadd.s32 $0x1000, s20  }
0xdf: {  	[hbm4b:s29+s3] =	stream.linear.scatter [tilespmem:s13], [sflag:$0x2], $0x2000, $0x38;
	[tilespmem:$0x11000] =	vst v63  }
0xe0: {  	s30 =	sadd.s32 $0x1400, s20  }
0xe1: {  	[hbm4b:s30+s3] =	stream.linear.scatter [tilespmem:s14], [sflag:$0x2], $0x2000, $0x38;
	[tilespmem:$0x11000] =	vst v63  }
0xe2: {  	s31 =	sadd.s32 $0x1800, s20  }
0xe3: {  	[hbm4b:s31+s3] =	stream.linear.scatter [tilespmem:s15], [sflag:$0x2], $0x2000, $0x38;
	[tilespmem:$0x11000] =	vst v63  }
0xe4: {  	s20 =	sadd.s32 $0x1C00, s20  }
0xe5: {  	[hbm4b:s20+s3] =	stream.linear.scatter [tilespmem:s16], [sflag:$0x2], $0x2000, $0x38;
	[tilespmem:$0x11000] =	vst v63  }
0xe6: {  	_ =	swait.ge [sflag:s18], $0x2000  }
0xe7: {  	[sflag:s18] =	ssyncset.done $0x0  }
0xe8: {  	[sflag:s18] =	ssyncadd.s32 $0xFFFFE000  }
0xe9: {  	_ =	swait.ge [sflag:s18], $0x2000  }
0xea: {  	[sflag:s18] =	ssyncset.done $0x0  }
0xeb: {  	[sflag:s18] =	ssyncadd.s32 $0xFFFFE000  }
0xec: {  	_ =	swait.ge [sflag:s18], $0x2000  }
0xed: {  	[sflag:s18] =	ssyncset.done $0x0  }
0xee: {  	[sflag:s18] =	ssyncadd.s32 $0xFFFFE000  }
0xef: {  	_ =	swait.ge [sflag:s18], $0x2000  }
0xf0: {  	[sflag:s18] =	ssyncset.done $0x0  }
0xf1: {  	[sflag:s18] =	ssyncadd.s32 $0xFFFFE000  }
0xf2: {  	_ =	swait.ge [sflag:s18], $0x2000  }
0xf3: {  	[sflag:s18] =	ssyncset.done $0x0  }
0xf4: {  	[sflag:s18] =	ssyncadd.s32 $0xFFFFE000  }
0xf5: {  	_ =	swait.ge [sflag:s18], $0x2000  }
0xf6: {  	[sflag:s18] =	ssyncset.done $0x0  }
0xf7: {  	s19 =	sadd.s32 $0x1, s19;
	[sflag:s18] =	ssyncadd.s32 $0xFFFFE000  }
0xf8: {  	p0 =	sne.s32 s19, s5;
	_ =	swait.ge [sflag:s18], $0x2000  }
.Ltmp1:
0xf9: {  	[sflag:s18] =	ssyncset.done $0x0;
	(pc) =	sbr.rel @p0 .LBB2_1-.Ltmp1, $4  }
0xfa: {  	[sflag:s18] =	ssyncadd.s32 $0xFFFFE000  }
0xfb: {  	_ =	swait.ge [sflag:s18], $0x2000  }
0xfc: {  	[sflag:s18] =	ssyncset.done $0x0  }
0xfd: {  	[sflag:s18] =	ssyncadd.s32 $0xFFFFE000  }
0xfe: {  	_ =	sfence.sel $0x180000  }
0xff: {  	[bflag:$0x0] =	sbarrier.arrive $0xFFFF  }
0x100: {  	p0 =	sne.s32 s2, $0x0;
	_ =	strace $0x90000047  }
0x101: {  	s0 =	sadd.s32 @!p0 $0x100000, s0;
	[bflag:$0x2] =	sbarrier.arrive $0xFFFF  }
0x102: {  	[sflag:s0] =	ssyncadd.tile.s32 @!p0 $0x1;
	_ =	shalt  }
.Lfunc_end2:
_tile_overlayer_lowered:
.L_overlay_start_2:
0x103: {  	(tag) =	ssettag $0x2  }
0x104: {  	s0 =	rddreg [dreg:$0x0];
	s2 =	stileid.u32  }
0x105: {  	s1 =	rddreg [dreg:$0x1];
	p0 =	sne.s32 s2, $0x0  }
0x106: {  	s3 =	rddreg [dreg:$0x2];
	[bflag:$0x3] =	sbarrier.arrive $0xFFFF;
	s2 =	simm.s32 @!p0 $0x1C03  }
0x107: {  	[timem:s3], [sflag:s2] =	dma.local @!p0 [hbm:s0], s1  }
0x108: {  	s0 =	simm.s32 @!p0 $0x3  }
0x109: {  	_ =	swait.ge @!p0 [sflag:s0], s1  }
0x10a: {  	s1 =	ssub.s32 @!p0 $0x0, s1;
	[sflag:s0] =	ssyncset.done @!p0 $0x0  }
0x10b: {  	[sflag:s0] =	ssyncadd.s32 @!p0 s1  }
0x10c: {  	[bflag:$0x3] =	sbarrier.arrive $0xFFFF  }
0x10d: {  	_ =	shalt  }

</sc_bundles>
